<compile_context>
chip_gen: v7x
topology: tpu7x:2x2x1
jax: 0.10.2.dev20260603
libtpu: 0.0.44.dev20260713+nightly
codegen_flags: <defaults>
</compile_context>

<pallas_src>
import functools

import jax
import jax.numpy as jnp
from jax import lax
from jax.experimental import pallas as pl
from jax.experimental.pallas import tpu as pltpu
from jax.experimental.pallas import tpu_sc as plsc

_NUM_CORES = 2
_NUM_SUBCORES = 16
_NW = _NUM_CORES * _NUM_SUBCORES

_B = 16384
_D = 32
_BPW = _B // _NW
_L = 16
_TL = 128
_R = 16


@functools.partial(
    pl.kernel,
    mesh=plsc.VectorSubcoreMesh(core_axis_name="c", subcore_axis_name="s"),
    out_type=jax.ShapeDtypeStruct((_D, _B), jnp.float32),
    scratch_types=[
        pltpu.VMEM((_BPW + _L,), jnp.int32),
        pltpu.VMEM((_R, _D, _TL), jnp.float32),
        pltpu.VMEM((_D, _BPW), jnp.float32),
        pltpu.SemaphoreType.DMA,
    ],
    compiler_params=pltpu.CompilerParams(needs_layout_passes=False),
)
def _gather_cols(vt_hbm, idx_hbm, out_hbm, idx_s, slabs, cols_v, sem):
    wid = lax.axis_index("s") * _NUM_CORES + lax.axis_index("c")
    base = pl.multiple_of(wid * _BPW, _BPW)
    pltpu.sync_copy(idx_hbm.at[pl.ds(base, _BPW)], idx_s.at[pl.ds(0, _BPW)])

    def idx_at(k):
        return idx_s[pl.ds(k, _L)][0]

    def fetch(k, r):
        start = pl.multiple_of(
            lax.shift_right_logical(idx_at(k), 7) * _TL, _TL
        )
        pltpu.make_async_copy(
            vt_hbm.at[:, pl.ds(start, _TL)],
            slabs.at[r],
            sem,
        ).start()

    for r in range(_R):
        fetch(r, r)

    j_lo = lax.iota(jnp.int32, _L)
    j_hi = j_lo + _L

    def outer(it, _):
        k0 = it * _R
        for r in range(_R):
            k = k0 + r
            pltpu.make_async_copy(
                vt_hbm.at[:, pl.ds(0, _TL)], slabs.at[r], sem
            ).wait()
            lane = jnp.full((_L,), idx_at(k) & (_TL - 1), jnp.int32)
            r_vec = jnp.full((_L,), r, jnp.int32)
            k_vec = jnp.full((_L,), k, jnp.int32)
            v0 = plsc.load_gather(slabs, [r_vec, j_lo, lane])
            v1 = plsc.load_gather(slabs, [r_vec, j_hi, lane])
            plsc.store_scatter(cols_v, [j_lo, k_vec], v0)
            plsc.store_scatter(cols_v, [j_hi, k_vec], v1)

            @pl.when(k + _R < _BPW)
            def _():
                fetch(k + _R, r)

        return 0

    lax.fori_loop(0, _BPW // _R, outer, 0)
    pltpu.sync_copy(cols_v, out_hbm.at[:, pl.ds(base, _BPW)])


def kernel(indices, values):
    out_t = _gather_cols(values.T, indices.astype(jnp.int32))
    return out_t.T

# --- scband reference (transcript-rebuilt; emitter-appended) ---
"""Pipeline reference for scband-representation-layer-74337293959322 (READ-ONLY COPY).

The authoritative reference and input builder live on the scoring server;
editing this copy changes nothing except your own understanding.
"""

import jax, jax.numpy as jnp
import numpy as np

N_SAMPLES = 1000000
LATENT_DIM = 32
INIT_STD = 0.01
BATCH = 16384

def setup_inputs(seed: int = 0) -> dict:
    key = jax.random.key(seed)
    k_idx, k_vals = jax.random.split(key)
    indices = jax.random.randint(k_idx, (BATCH,), 0, N_SAMPLES, dtype=jnp.int64 if jax.config.jax_enable_x64 else jnp.int32)
    values = jax.random.normal(k_vals, (N_SAMPLES, LATENT_DIM), dtype=jnp.float32) * INIT_STD
    return {"indices": indices, "values": values}

def reference(indices, values):
    # RepresentationLayer.forward: gather one learned latent vector per sample index
    return jnp.take(values, indices, axis=0)

if __name__ == "__main__":
    import jax
    _d = setup_inputs()
    print(jax.jit(kernel)(*tuple(_d.values())))

</pallas_src>

<mosaic_0001>
#map = affine_map<(d0, d1) -> (0, 0)>
#map1 = affine_map<(d0, d1) -> (0)>
module attributes {stable_mosaic.version = 14 : i64} {
  func.func @_gather_cols(%arg0: i32, %arg1: i32, %arg2: memref<32x1000000xf32, #tpu.memory_space<hbm>>, %arg3: memref<16384xi32, #tpu.memory_space<hbm>>, %arg4: memref<32x16384xf32, #tpu.memory_space<hbm>>, %arg5: memref<528xi32, #tpu.memory_space<vmem>>, %arg6: memref<16x32x128xf32, #tpu.memory_space<vmem>>, %arg7: memref<32x512xf32, #tpu.memory_space<vmem>>, %arg8: memref<!tpu.dma_semaphore, #tpu.memory_space<semaphore_mem>>) attributes {dimension_semantics = [#tpu.dimension_semantics<core_parallel>, #tpu.dimension_semantics<subcore_parallel>], iteration_bounds = array<i64: 2, 16>, scalar_prefetch = 0 : i64, scratch_operands = 4 : i64, tpu.core_type = #tpu.core_type<sc_vector_subcore>, window_params = [{transform_indices = #map}, {transform_indices = #map1}, {transform_indices = #map}]} {
    %mul3A = arith.constant 2 : i32
    %mul3A_0 = arith.muli %arg1, %mul3A : i32
    %add3A = arith.addi %mul3A_0, %arg0 : i32
    %mul3A_1 = arith.constant 512 : i32
    %mul3A_2 = arith.muli %add3A, %mul3A_1 : i32
    %multiple_of3A = tpu.assume_multiple %mul3A_2, 512 : i32
    "tpu.region"() ({
      %run_scoped3A = tpu.sem_alloc : memref<!tpu.dma_semaphore, #tpu.memory_space<semaphore_mem>>
      %dma_start3A_359 = arith.constant 0 : i32
      %dma_start3A_360 = tpu.memref_slice %arg5[%dma_start3A_359] : memref<528xi32, #tpu.memory_space<vmem>> -> memref<512xi32, #tpu.memory_space<vmem>>
      %dma_start3A_361 = tpu.memref_slice %arg3[%multiple_of3A] : memref<16384xi32, #tpu.memory_space<hbm>> -> memref<512xi32, #tpu.memory_space<hbm>>
      %dma_start3A_362 = arith.constant 0 : i32
      %dma_start3A_363 = tpu.memref_slice %arg5[%dma_start3A_362] : memref<528xi32, #tpu.memory_space<vmem>> -> memref<512xi32, #tpu.memory_space<vmem>>
      %dma_start3A_364 = tpu.memref_slice %arg3[%multiple_of3A] : memref<16384xi32, #tpu.memory_space<hbm>> -> memref<512xi32, #tpu.memory_space<hbm>>
      tpu.enqueue_dma source(%dma_start3A_364 : memref<512xi32, #tpu.memory_space<hbm>>) target(%dma_start3A_363 : memref<512xi32, #tpu.memory_space<vmem>>) target_semaphore(%run_scoped3A : memref<!tpu.dma_semaphore, #tpu.memory_space<semaphore_mem>>)
      %dma_wait3A = arith.constant 0 : i32
      %dma_wait3A_365 = tpu.memref_slice %arg5[%dma_wait3A] : memref<528xi32, #tpu.memory_space<vmem>> -> memref<512xi32, #tpu.memory_space<vmem>>
      %dma_wait3A_366 = tpu.memref_slice %arg3[%multiple_of3A] : memref<16384xi32, #tpu.memory_space<hbm>> -> memref<512xi32, #tpu.memory_space<hbm>>
      %dma_wait3A_367 = arith.constant 0 : i32
      %dma_wait3A_368 = tpu.memref_slice %arg5[%dma_wait3A_367] : memref<528xi32, #tpu.memory_space<vmem>> -> memref<512xi32, #tpu.memory_space<vmem>>
      %dma_wait3A_369 = tpu.memref_slice %arg3[%multiple_of3A] : memref<16384xi32, #tpu.memory_space<hbm>> -> memref<512xi32, #tpu.memory_space<hbm>>
      tpu.wait_dma2 semaphore(%run_scoped3A : memref<!tpu.dma_semaphore, #tpu.memory_space<semaphore_mem>>) src(%dma_wait3A_369 : memref<512xi32, #tpu.memory_space<hbm>>) dst(%dma_wait3A_368 : memref<512xi32, #tpu.memory_space<vmem>>)
      tpu.yield
    }) : () -> ()
    %get3A = arith.constant 0 : index
    %get3A_3 = tpu.vector_load %arg5[%get3A] {strides = array<i32>} : memref<528xi32, #tpu.memory_space<vmem>>, vector<16xi32>,
    %slice3A = vector.extract_strided_slice %get3A_3 {offsets = [0], sizes = [1], strides = [1]} : vector<16xi32> to vector<1xi32>
    %squeeze3A = vector.extract %slice3A[0] : i32 from vector<1xi32>
    %shift_right_logical3A = arith.constant 7 : i32
    %shift_right_logical3A_4 = arith.shrui %squeeze3A, %shift_right_logical3A : i32
    %mul3A_5 = arith.constant 128 : i32
    %mul3A_6 = arith.muli %shift_right_logical3A_4, %mul3A_5 : i32
    %multiple_of3A_7 = tpu.assume_multiple %mul3A_6, 128 : i32
    %dma_start3A = arith.constant 0 : i32
    %dma_start3A_8 = arith.constant 0 : i32
    %dma_start3A_9 = arith.constant 0 : i32
    %dma_start3A_10 = tpu.memref_slice %arg6[%dma_start3A, %dma_start3A_8, %dma_start3A_9] : memref<16x32x128xf32, #tpu.memory_space<vmem>> -> memref<1x32x128xf32, #tpu.memory_space<vmem>>
    %dma_start3A_11 = tpu.memref_squeeze %dma_start3A_10 : memref<1x32x128xf32, #tpu.memory_space<vmem>> -> memref<32x128xf32, #tpu.memory_space<vmem>>
    %dma_start3A_12 = arith.constant 0 : i32
    %dma_start3A_13 = tpu.memref_slice %arg2[%dma_start3A_12, %multiple_of3A_7] : memref<32x1000000xf32, #tpu.memory_space<hbm>> -> memref<32x128xf32, #tpu.memory_space<hbm>>
    %dma_start3A_14 = arith.constant 0 : i32
    %dma_start3A_15 = arith.constant 0 : i32
    %dma_start3A_16 = tpu.memref_slice %arg6[%dma_start3A, %dma_start3A_14, %dma_start3A_15] : memref<16x32x128xf32, #tpu.memory_space<vmem>> -> memref<1x32x128xf32, #tpu.memory_space<vmem>>
    %dma_start3A_17 = tpu.memref_squeeze %dma_start3A_16 : memref<1x32x128xf32, #tpu.memory_space<vmem>> -> memref<32x128xf32, #tpu.memory_space<vmem>>
    %dma_start3A_18 = arith.constant 0 : i32
    %dma_start3A_19 = tpu.memref_slice %arg2[%dma_start3A_18, %multiple_of3A_7] : memref<32x1000000xf32, #tpu.memory_space<hbm>> -> memref<32x128xf32, #tpu.memory_space<hbm>>
    tpu.enqueue_dma source(%dma_start3A_19 : memref<32x128xf32, #tpu.memory_space<hbm>>) target(%dma_start3A_17 : memref<32x128xf32, #tpu.memory_space<vmem>>) target_semaphore(%arg8 : memref<!tpu.dma_semaphore, #tpu.memory_space<semaphore_mem>>)
    %get3A_20 = arith.constant 1 : index
    %get3A_21 = tpu.vector_load %arg5[%get3A_20] {strides = array<i32>} : memref<528xi32, #tpu.memory_space<vmem>>, vector<16xi32>,
    %slice3A_22 = vector.extract_strided_slice %get3A_21 {offsets = [0], sizes = [1], strides = [1]} : vector<16xi32> to vector<1xi32>
    %squeeze3A_23 = vector.extract %slice3A_22[0] : i32 from vector<1xi32>
    %shift_right_logical3A_24 = arith.constant 7 : i32
    %shift_right_logical3A_25 = arith.shrui %squeeze3A_23, %shift_right_logical3A_24 : i32
    %mul3A_26 = arith.constant 128 : i32
    %mul3A_27 = arith.muli %shift_right_logical3A_25, %mul3A_26 : i32
    %multiple_of3A_28 = tpu.assume_multiple %mul3A_27, 128 : i32
    %dma_start3A_29 = arith.constant 1 : i32
    %dma_start3A_30 = arith.constant 0 : i32
    %dma_start3A_31 = arith.constant 0 : i32
    %dma_start3A_32 = tpu.memref_slice %arg6[%dma_start3A_29, %dma_start3A_30, %dma_start3A_31] : memref<16x32x128xf32, #tpu.memory_space<vmem>> -> memref<1x32x128xf32, #tpu.memory_space<vmem>>
    %dma_start3A_33 = tpu.memref_squeeze %dma_start3A_32 : memref<1x32x128xf32, #tpu.memory_space<vmem>> -> memref<32x128xf32, #tpu.memory_space<vmem>>
    %dma_start3A_34 = arith.constant 0 : i32
    %dma_start3A_35 = tpu.memref_slice %arg2[%dma_start3A_34, %multiple_of3A_28] : memref<32x1000000xf32, #tpu.memory_space<hbm>> -> memref<32x128xf32, #tpu.memory_space<hbm>>
    %dma_start3A_36 = arith.constant 0 : i32
    %dma_start3A_37 = arith.constant 0 : i32
    %dma_start3A_38 = tpu.memref_slice %arg6[%dma_start3A_29, %dma_start3A_36, %dma_start3A_37] : memref<16x32x128xf32, #tpu.memory_space<vmem>> -> memref<1x32x128xf32, #tpu.memory_space<vmem>>
    %dma_start3A_39 = tpu.memref_squeeze %dma_start3A_38 : memref<1x32x128xf32, #tpu.memory_space<vmem>> -> memref<32x128xf32, #tpu.memory_space<vmem>>
    %dma_start3A_40 = arith.constant 0 : i32
    %dma_start3A_41 = tpu.memref_slice %arg2[%dma_start3A_40, %multiple_of3A_28] : memref<32x1000000xf32, #tpu.memory_space<hbm>> -> memref<32x128xf32, #tpu.memory_space<hbm>>
    tpu.enqueue_dma source(%dma_start3A_41 : memref<32x128xf32, #tpu.memory_space<hbm>>) target(%dma_start3A_39 : memref<32x128xf32, #tpu.memory_space<vmem>>) target_semaphore(%arg8 : memref<!tpu.dma_semaphore, #tpu.memory_space<semaphore_mem>>)
    %get3A_42 = arith.constant 2 : index
    %get3A_43 = tpu.vector_load %arg5[%get3A_42] {strides = array<i32>} : memref<528xi32, #tpu.memory_space<vmem>>, vector<16xi32>,
    %slice3A_44 = vector.extract_strided_slice %get3A_43 {offsets = [0], sizes = [1], strides = [1]} : vector<16xi32> to vector<1xi32>
    %squeeze3A_45 = vector.extract %slice3A_44[0] : i32 from vector<1xi32>
    %shift_right_logical3A_46 = arith.constant 7 : i32
    %shift_right_logical3A_47 = arith.shrui %squeeze3A_45, %shift_right_logical3A_46 : i32
    %mul3A_48 = arith.constant 128 : i32
    %mul3A_49 = arith.muli %shift_right_logical3A_47, %mul3A_48 : i32
    %multiple_of3A_50 = tpu.assume_multiple %mul3A_49, 128 : i32
    %dma_start3A_51 = arith.constant 2 : i32
    %dma_start3A_52 = arith.constant 0 : i32
    %dma_start3A_53 = arith.constant 0 : i32
    %dma_start3A_54 = tpu.memref_slice %arg6[%dma_start3A_51, %dma_start3A_52, %dma_start3A_53] : memref<16x32x128xf32, #tpu.memory_space<vmem>> -> memref<1x32x128xf32, #tpu.memory_space<vmem>>
    %dma_start3A_55 = tpu.memref_squeeze %dma_start3A_54 : memref<1x32x128xf32, #tpu.memory_space<vmem>> -> memref<32x128xf32, #tpu.memory_space<vmem>>
    %dma_start3A_56 = arith.constant 0 : i32
    %dma_start3A_57 = tpu.memref_slice %arg2[%dma_start3A_56, %multiple_of3A_50] : memref<32x1000000xf32, #tpu.memory_space<hbm>> -> memref<32x128xf32, #tpu.memory_space<hbm>>
    %dma_start3A_58 = arith.constant 0 : i32
    %dma_start3A_59 = arith.constant 0 : i32
    %dma_start3A_60 = tpu.memref_slice %arg6[%dma_start3A_51, %dma_start3A_58, %dma_start3A_59] : memref<16x32x128xf32, #tpu.memory_space<vmem>> -> memref<1x32x128xf32, #tpu.memory_space<vmem>>
    %dma_start3A_61 = tpu.memref_squeeze %dma_start3A_60 : memref<1x32x128xf32, #tpu.memory_space<vmem>> -> memref<32x128xf32, #tpu.memory_space<vmem>>
    %dma_start3A_62 = arith.constant 0 : i32
    %dma_start3A_63 = tpu.memref_slice %arg2[%dma_start3A_62, %multiple_of3A_50] : memref<32x1000000xf32, #tpu.memory_space<hbm>> -> memref<32x128xf32, #tpu.memory_space<hbm>>
    tpu.enqueue_dma source(%dma_start3A_63 : memref<32x128xf32, #tpu.memory_space<hbm>>) target(%dma_start3A_61 : memref<32x128xf32, #tpu.memory_space<vmem>>) target_semaphore(%arg8 : memref<!tpu.dma_semaphore, #tpu.memory_space<semaphore_mem>>)
    %get3A_64 = arith.constant 3 : index
    %get3A_65 = tpu.vector_load %arg5[%get3A_64] {strides = array<i32>} : memref<528xi32, #tpu.memory_space<vmem>>, vector<16xi32>,
    %slice3A_66 = vector.extract_strided_slice %get3A_65 {offsets = [0], sizes = [1], strides = [1]} : vector<16xi32> to vector<1xi32>
    %squeeze3A_67 = vector.extract %slice3A_66[0] : i32 from vector<1xi32>
    %shift_right_logical3A_68 = arith.constant 7 : i32
    %shift_right_logical3A_69 = arith.shrui %squeeze3A_67, %shift_right_logical3A_68 : i32
    %mul3A_70 = arith.constant 128 : i32
    %mul3A_71 = arith.muli %shift_right_logical3A_69, %mul3A_70 : i32
    %multiple_of3A_72 = tpu.assume_multiple %mul3A_71, 128 : i32
    %dma_start3A_73 = arith.constant 3 : i32
    %dma_start3A_74 = arith.constant 0 : i32
    %dma_start3A_75 = arith.constant 0 : i32
    %dma_start3A_76 = tpu.memref_slice %arg6[%dma_start3A_73, %dma_start3A_74, %dma_start3A_75] : memref<16x32x128xf32, #tpu.memory_space<vmem>> -> memref<1x32x128xf32, #tpu.memory_space<vmem>>
    %dma_start3A_77 = tpu.memref_squeeze %dma_start3A_76 : memref<1x32x128xf32, #tpu.memory_space<vmem>> -> memref<32x128xf32, #tpu.memory_space<vmem>>
    %dma_start3A_78 = arith.constant 0 : i32
    %dma_start3A_79 = tpu.memref_slice %arg2[%dma_start3A_78, %multiple_of3A_72] : memref<32x1000000xf32, #tpu.memory_space<hbm>> -> memref<32x128xf32, #tpu.memory_space<hbm>>
    %dma_start3A_80 = arith.constant 0 : i32
    %dma_start3A_81 = arith.constant 0 : i32
    %dma_start3A_82 = tpu.memref_slice %arg6[%dma_start3A_73, %dma_start3A_80, %dma_start3A_81] : memref<16x32x128xf32, #tpu.memory_space<vmem>> -> memref<1x32x128xf32, #tpu.memory_space<vmem>>
    %dma_start3A_83 = tpu.memref_squeeze %dma_start3A_82 : memref<1x32x128xf32, #tpu.memory_space<vmem>> -> memref<32x128xf32, #tpu.memory_space<vmem>>
    %dma_start3A_84 = arith.constant 0 : i32
    %dma_start3A_85 = tpu.memref_slice %arg2[%dma_start3A_84, %multiple_of3A_72] : memref<32x1000000xf32, #tpu.memory_space<hbm>> -> memref<32x128xf32, #tpu.memory_space<hbm>>
    tpu.enqueue_dma source(%dma_start3A_85 : memref<32x128xf32, #tpu.memory_space<hbm>>) target(%dma_start3A_83 : memref<32x128xf32, #tpu.memory_space<vmem>>) target_semaphore(%arg8 : memref<!tpu.dma_semaphore, #tpu.memory_space<semaphore_mem>>)
    %get3A_86 = arith.constant 4 : index
    %get3A_87 = tpu.vector_load %arg5[%get3A_86] {strides = array<i32>} : memref<528xi32, #tpu.memory_space<vmem>>, vector<16xi32>,
    %slice3A_88 = vector.extract_strided_slice %get3A_87 {offsets = [0], sizes = [1], strides = [1]} : vector<16xi32> to vector<1xi32>
    %squeeze3A_89 = vector.extract %slice3A_88[0] : i32 from vector<1xi32>
    %shift_right_logical3A_90 = arith.constant 7 : i32
    %shift_right_logical3A_91 = arith.shrui %squeeze3A_89, %shift_right_logical3A_90 : i32
    %mul3A_92 = arith.constant 128 : i32
    %mul3A_93 = arith.muli %shift_right_logical3A_91, %mul3A_92 : i32
    %multiple_of3A_94 = tpu.assume_multiple %mul3A_93, 128 : i32
    %dma_start3A_95 = arith.constant 4 : i32
    %dma_start3A_96 = arith.constant 0 : i32
    %dma_start3A_97 = arith.constant 0 : i32
    %dma_start3A_98 = tpu.memref_slice %arg6[%dma_start3A_95, %dma_start3A_96, %dma_start3A_97] : memref<16x32x128xf32, #tpu.memory_space<vmem>> -> memref<1x32x128xf32, #tpu.memory_space<vmem>>
    %dma_start3A_99 = tpu.memref_squeeze %dma_start3A_98 : memref<1x32x128xf32, #tpu.memory_space<vmem>> -> memref<32x128xf32, #tpu.memory_space<vmem>>
    %dma_start3A_100 = arith.constant 0 : i32
    %dma_start3A_101 = tpu.memref_slice %arg2[%dma_start3A_100, %multiple_of3A_94] : memref<32x1000000xf32, #tpu.memory_space<hbm>> -> memref<32x128xf32, #tpu.memory_space<hbm>>
    %dma_start3A_102 = arith.constant 0 : i32
    %dma_start3A_103 = arith.constant 0 : i32
    %dma_start3A_104 = tpu.memref_slice %arg6[%dma_start3A_95, %dma_start3A_102, %dma_start3A_103] : memref<16x32x128xf32, #tpu.memory_space<vmem>> -> memref<1x32x128xf32, #tpu.memory_space<vmem>>
    %dma_start3A_105 = tpu.memref_squeeze %dma_start3A_104 : memref<1x32x128xf32, #tpu.memory_space<vmem>> -> memref<32x128xf32, #tpu.memory_space<vmem>>
    %dma_start3A_106 = arith.constant 0 : i32
    %dma_start3A_107 = tpu.memref_slice %arg2[%dma_start3A_106, %multiple_of3A_94] : memref<32x1000000xf32, #tpu.memory_space<hbm>> -> memref<32x128xf32, #tpu.memory_space<hbm>>
    tpu.enqueue_dma source(%dma_start3A_107 : memref<32x128xf32, #tpu.memory_space<hbm>>) target(%dma_start3A_105 : memref<32x128xf32, #tpu.memory_space<vmem>>) target_semaphore(%arg8 : memref<!tpu.dma_semaphore, #tpu.memory_space<semaphore_mem>>)
    %get3A_108 = arith.constant 5 : index
    %get3A_109 = tpu.vector_load %arg5[%get3A_108] {strides = array<i32>} : memref<528xi32, #tpu.memory_space<vmem>>, vector<16xi32>,
    %slice3A_110 = vector.extract_strided_slice %get3A_109 {offsets = [0], sizes = [1], strides = [1]} : vector<16xi32> to vector<1xi32>
    %squeeze3A_111 = vector.extract %slice3A_110[0] : i32 from vector<1xi32>
    %shift_right_logical3A_112 = arith.constant 7 : i32
    %shift_right_logical3A_113 = arith.shrui %squeeze3A_111, %shift_right_logical3A_112 : i32
    %mul3A_114 = arith.constant 128 : i32
    %mul3A_115 = arith.muli %shift_right_logical3A_113, %mul3A_114 : i32
    %multiple_of3A_116 = tpu.assume_multiple %mul3A_115, 128 : i32
    %dma_start3A_117 = arith.constant 5 : i32
    %dma_start3A_118 = arith.constant 0 : i32
    %dma_start3A_119 = arith.constant 0 : i32
    %dma_start3A_120 = tpu.memref_slice %arg6[%dma_start3A_117, %dma_start3A_118, %dma_start3A_119] : memref<16x32x128xf32, #tpu.memory_space<vmem>> -> memref<1x32x128xf32, #tpu.memory_space<vmem>>
    %dma_start3A_121 = tpu.memref_squeeze %dma_start3A_120 : memref<1x32x128xf32, #tpu.memory_space<vmem>> -> memref<32x128xf32, #tpu.memory_space<vmem>>
    %dma_start3A_122 = arith.constant 0 : i32
    %dma_start3A_123 = tpu.memref_slice %arg2[%dma_start3A_122, %multiple_of3A_116] : memref<32x1000000xf32, #tpu.memory_space<hbm>> -> memref<32x128xf32, #tpu.memory_space<hbm>>
    %dma_start3A_124 = arith.constant 0 : i32
    %dma_start3A_125 = arith.constant 0 : i32
    %dma_start3A_126 = tpu.memref_slice %arg6[%dma_start3A_117, %dma_start3A_124, %dma_start3A_125] : memref<16x32x128xf32, #tpu.memory_space<vmem>> -> memref<1x32x128xf32, #tpu.memory_space<vmem>>
    %dma_start3A_127 = tpu.memref_squeeze %dma_start3A_126 : memref<1x32x128xf32, #tpu.memory_space<vmem>> -> memref<32x128xf32, #tpu.memory_space<vmem>>
    %dma_start3A_128 = arith.constant 0 : i32
    %dma_start3A_129 = tpu.memref_slice %arg2[%dma_start3A_128, %multiple_of3A_116] : memref<32x1000000xf32, #tpu.memory_space<hbm>> -> memref<32x128xf32, #tpu.memory_space<hbm>>
    tpu.enqueue_dma source(%dma_start3A_129 : memref<32x128xf32, #tpu.memory_space<hbm>>) target(%dma_start3A_127 : memref<32x128xf32, #tpu.memory_space<vmem>>) target_semaphore(%arg8 : memref<!tpu.dma_semaphore, #tpu.memory_space<semaphore_mem>>)
    %get3A_130 = arith.constant 6 : index
    %get3A_131 = tpu.vector_load %arg5[%get3A_130] {strides = array<i32>} : memref<528xi32, #tpu.memory_space<vmem>>, vector<16xi32>,
    %slice3A_132 = vector.extract_strided_slice %get3A_131 {offsets = [0], sizes = [1], strides = [1]} : vector<16xi32> to vector<1xi32>
    %squeeze3A_133 = vector.extract %slice3A_132[0] : i32 from vector<1xi32>
    %shift_right_logical3A_134 = arith.constant 7 : i32
    %shift_right_logical3A_135 = arith.shrui %squeeze3A_133, %shift_right_logical3A_134 : i32
    %mul3A_136 = arith.constant 128 : i32
    %mul3A_137 = arith.muli %shift_right_logical3A_135, %mul3A_136 : i32
    %multiple_of3A_138 = tpu.assume_multiple %mul3A_137, 128 : i32
    %dma_start3A_139 = arith.constant 6 : i32
    %dma_start3A_140 = arith.constant 0 : i32
    %dma_start3A_141 = arith.constant 0 : i32
    %dma_start3A_142 = tpu.memref_slice %arg6[%dma_start3A_139, %dma_start3A_140, %dma_start3A_141] : memref<16x32x128xf32, #tpu.memory_space<vmem>> -> memref<1x32x128xf32, #tpu.memory_space<vmem>>
    %dma_start3A_143 = tpu.memref_squeeze %dma_start3A_142 : memref<1x32x128xf32, #tpu.memory_space<vmem>> -> memref<32x128xf32, #tpu.memory_space<vmem>>
    %dma_start3A_144 = arith.constant 0 : i32
    %dma_start3A_145 = tpu.memref_slice %arg2[%dma_start3A_144, %multiple_of3A_138] : memref<32x1000000xf32, #tpu.memory_space<hbm>> -> memref<32x128xf32, #tpu.memory_space<hbm>>
    %dma_start3A_146 = arith.constant 0 : i32
    %dma_start3A_147 = arith.constant 0 : i32
    %dma_start3A_148 = tpu.memref_slice %arg6[%dma_start3A_139, %dma_start3A_146, %dma_start3A_147] : memref<16x32x128xf32, #tpu.memory_space<vmem>> -> memref<1x32x128xf32, #tpu.memory_space<vmem>>
    %dma_start3A_149 = tpu.memref_squeeze %dma_start3A_148 : memref<1x32x128xf32, #tpu.memory_space<vmem>> -> memref<32x128xf32, #tpu.memory_space<vmem>>
    %dma_start3A_150 = arith.constant 0 : i32
    %dma_start3A_151 = tpu.memref_slice %arg2[%dma_start3A_150, %multiple_of3A_138] : memref<32x1000000xf32, #tpu.memory_space<hbm>> -> memref<32x128xf32, #tpu.memory_space<hbm>>
    tpu.enqueue_dma source(%dma_start3A_151 : memref<32x128xf32, #tpu.memory_space<hbm>>) target(%dma_start3A_149 : memref<32x128xf32, #tpu.memory_space<vmem>>) target_semaphore(%arg8 : memref<!tpu.dma_semaphore, #tpu.memory_space<semaphore_mem>>)
    %get3A_152 = arith.constant 7 : index
    %get3A_153 = tpu.vector_load %arg5[%get3A_152] {strides = array<i32>} : memref<528xi32, #tpu.memory_space<vmem>>, vector<16xi32>,
    %slice3A_154 = vector.extract_strided_slice %get3A_153 {offsets = [0], sizes = [1], strides = [1]} : vector<16xi32> to vector<1xi32>
    %squeeze3A_155 = vector.extract %slice3A_154[0] : i32 from vector<1xi32>
    %shift_right_logical3A_156 = arith.constant 7 : i32
    %shift_right_logical3A_157 = arith.shrui %squeeze3A_155, %shift_right_logical3A_156 : i32
    %mul3A_158 = arith.constant 128 : i32
    %mul3A_159 = arith.muli %shift_right_logical3A_157, %mul3A_158 : i32
    %multiple_of3A_160 = tpu.assume_multiple %mul3A_159, 128 : i32
    %dma_start3A_161 = arith.constant 7 : i32
    %dma_start3A_162 = arith.constant 0 : i32
    %dma_start3A_163 = arith.constant 0 : i32
    %dma_start3A_164 = tpu.memref_slice %arg6[%dma_start3A_161, %dma_start3A_162, %dma_start3A_163] : memref<16x32x128xf32, #tpu.memory_space<vmem>> -> memref<1x32x128xf32, #tpu.memory_space<vmem>>
    %dma_start3A_165 = tpu.memref_squeeze %dma_start3A_164 : memref<1x32x128xf32, #tpu.memory_space<vmem>> -> memref<32x128xf32, #tpu.memory_space<vmem>>
    %dma_start3A_166 = arith.constant 0 : i32
    %dma_start3A_167 = tpu.memref_slice %arg2[%dma_start3A_166, %multiple_of3A_160] : memref<32x1000000xf32, #tpu.memory_space<hbm>> -> memref<32x128xf32, #tpu.memory_space<hbm>>
    %dma_start3A_168 = arith.constant 0 : i32
    %dma_start3A_169 = arith.constant 0 : i32
    %dma_start3A_170 = tpu.memref_slice %arg6[%dma_start3A_161, %dma_start3A_168, %dma_start3A_169] : memref<16x32x128xf32, #tpu.memory_space<vmem>> -> memref<1x32x128xf32, #tpu.memory_space<vmem>>
    %dma_start3A_171 = tpu.memref_squeeze %dma_start3A_170 : memref<1x32x128xf32, #tpu.memory_space<vmem>> -> memref<32x128xf32, #tpu.memory_space<vmem>>
    %dma_start3A_172 = arith.constant 0 : i32
    %dma_start3A_173 = tpu.memref_slice %arg2[%dma_start3A_172, %multiple_of3A_160] : memref<32x1000000xf32, #tpu.memory_space<hbm>> -> memref<32x128xf32, #tpu.memory_space<hbm>>
    tpu.enqueue_dma source(%dma_start3A_173 : memref<32x128xf32, #tpu.memory_space<hbm>>) target(%dma_start3A_171 : memref<32x128xf32, #tpu.memory_space<vmem>>) target_semaphore(%arg8 : memref<!tpu.dma_semaphore, #tpu.memory_space<semaphore_mem>>)
    %get3A_174 = arith.constant 8 : index
    %get3A_175 = tpu.vector_load %arg5[%get3A_174] {strides = array<i32>} : memref<528xi32, #tpu.memory_space<vmem>>, vector<16xi32>,
    %slice3A_176 = vector.extract_strided_slice %get3A_175 {offsets = [0], sizes = [1], strides = [1]} : vector<16xi32> to vector<1xi32>
    %squeeze3A_177 = vector.extract %slice3A_176[0] : i32 from vector<1xi32>
    %shift_right_logical3A_178 = arith.constant 7 : i32
    %shift_right_logical3A_179 = arith.shrui %squeeze3A_177, %shift_right_logical3A_178 : i32
    %mul3A_180 = arith.constant 128 : i32
    %mul3A_181 = arith.muli %shift_right_logical3A_179, %mul3A_180 : i32
    %multiple_of3A_182 = tpu.assume_multiple %mul3A_181, 128 : i32
    %dma_start3A_183 = arith.constant 8 : i32
    %dma_start3A_184 = arith.constant 0 : i32
    %dma_start3A_185 = arith.constant 0 : i32
    %dma_start3A_186 = tpu.memref_slice %arg6[%dma_start3A_183, %dma_start3A_184, %dma_start3A_185] : memref<16x32x128xf32, #tpu.memory_space<vmem>> -> memref<1x32x128xf32, #tpu.memory_space<vmem>>
    %dma_start3A_187 = tpu.memref_squeeze %dma_start3A_186 : memref<1x32x128xf32, #tpu.memory_space<vmem>> -> memref<32x128xf32, #tpu.memory_space<vmem>>
    %dma_start3A_188 = arith.constant 0 : i32
    %dma_start3A_189 = tpu.memref_slice %arg2[%dma_start3A_188, %multiple_of3A_182] : memref<32x1000000xf32, #tpu.memory_space<hbm>> -> memref<32x128xf32, #tpu.memory_space<hbm>>
    %dma_start3A_190 = arith.constant 0 : i32
    %dma_start3A_191 = arith.constant 0 : i32
    %dma_start3A_192 = tpu.memref_slice %arg6[%dma_start3A_183, %dma_start3A_190, %dma_start3A_191] : memref<16x32x128xf32, #tpu.memory_space<vmem>> -> memref<1x32x128xf32, #tpu.memory_space<vmem>>
    %dma_start3A_193 = tpu.memref_squeeze %dma_start3A_192 : memref<1x32x128xf32, #tpu.memory_space<vmem>> -> memref<32x128xf32, #tpu.memory_space<vmem>>
    %dma_start3A_194 = arith.constant 0 : i32
    %dma_start3A_195 = tpu.memref_slice %arg2[%dma_start3A_194, %multiple_of3A_182] : memref<32x1000000xf32, #tpu.memory_space<hbm>> -> memref<32x128xf32, #tpu.memory_space<hbm>>
    tpu.enqueue_dma source(%dma_start3A_195 : memref<32x128xf32, #tpu.memory_space<hbm>>) target(%dma_start3A_193 : memref<32x128xf32, #tpu.memory_space<vmem>>) target_semaphore(%arg8 : memref<!tpu.dma_semaphore, #tpu.memory_space<semaphore_mem>>)
    %get3A_196 = arith.constant 9 : index
    %get3A_197 = tpu.vector_load %arg5[%get3A_196] {strides = array<i32>} : memref<528xi32, #tpu.memory_space<vmem>>, vector<16xi32>,
    %slice3A_198 = vector.extract_strided_slice %get3A_197 {offsets = [0], sizes = [1], strides = [1]} : vector<16xi32> to vector<1xi32>
    %squeeze3A_199 = vector.extract %slice3A_198[0] : i32 from vector<1xi32>
    %shift_right_logical3A_200 = arith.constant 7 : i32
    %shift_right_logical3A_201 = arith.shrui %squeeze3A_199, %shift_right_logical3A_200 : i32
    %mul3A_202 = arith.constant 128 : i32
    %mul3A_203 = arith.muli %shift_right_logical3A_201, %mul3A_202 : i32
    %multiple_of3A_204 = tpu.assume_multiple %mul3A_203, 128 : i32
    %dma_start3A_205 = arith.constant 9 : i32
    %dma_start3A_206 = arith.constant 0 : i32
    %dma_start3A_207 = arith.constant 0 : i32
    %dma_start3A_208 = tpu.memref_slice %arg6[%dma_start3A_205, %dma_start3A_206, %dma_start3A_207] : memref<16x32x128xf32, #tpu.memory_space<vmem>> -> memref<1x32x128xf32, #tpu.memory_space<vmem>>
    %dma_start3A_209 = tpu.memref_squeeze %dma_start3A_208 : memref<1x32x128xf32, #tpu.memory_space<vmem>> -> memref<32x128xf32, #tpu.memory_space<vmem>>
    %dma_start3A_210 = arith.constant 0 : i32
    %dma_start3A_211 = tpu.memref_slice %arg2[%dma_start3A_210, %multiple_of3A_204] : memref<32x1000000xf32, #tpu.memory_space<hbm>> -> memref<32x128xf32, #tpu.memory_space<hbm>>
    %dma_start3A_212 = arith.constant 0 : i32
    %dma_start3A_213 = arith.constant 0 : i32
    %dma_start3A_214 = tpu.memref_slice %arg6[%dma_start3A_205, %dma_start3A_212, %dma_start3A_213] : memref<16x32x128xf32, #tpu.memory_space<vmem>> -> memref<1x32x128xf32, #tpu.memory_space<vmem>>
    %dma_start3A_215 = tpu.memref_squeeze %dma_start3A_214 : memref<1x32x128xf32, #tpu.memory_space<vmem>> -> memref<32x128xf32, #tpu.memory_space<vmem>>
    %dma_start3A_216 = arith.constant 0 : i32
    %dma_start3A_217 = tpu.memref_slice %arg2[%dma_start3A_216, %multiple_of3A_204] : memref<32x1000000xf32, #tpu.memory_space<hbm>> -> memref<32x128xf32, #tpu.memory_space<hbm>>
    tpu.enqueue_dma source(%dma_start3A_217 : memref<32x128xf32, #tpu.memory_space<hbm>>) target(%dma_start3A_215 : memref<32x128xf32, #tpu.memory_space<vmem>>) target_semaphore(%arg8 : memref<!tpu.dma_semaphore, #tpu.memory_space<semaphore_mem>>)
    %get3A_218 = arith.constant 10 : index
    %get3A_219 = tpu.vector_load %arg5[%get3A_218] {strides = array<i32>} : memref<528xi32, #tpu.memory_space<vmem>>, vector<16xi32>,
    %slice3A_220 = vector.extract_strided_slice %get3A_219 {offsets = [0], sizes = [1], strides = [1]} : vector<16xi32> to vector<1xi32>
    %squeeze3A_221 = vector.extract %slice3A_220[0] : i32 from vector<1xi32>
    %shift_right_logical3A_222 = arith.constant 7 : i32
    %shift_right_logical3A_223 = arith.shrui %squeeze3A_221, %shift_right_logical3A_222 : i32
    %mul3A_224 = arith.constant 128 : i32
    %mul3A_225 = arith.muli %shift_right_logical3A_223, %mul3A_224 : i32
    %multiple_of3A_226 = tpu.assume_multiple %mul3A_225, 128 : i32
    %dma_start3A_227 = arith.constant 10 : i32
    %dma_start3A_228 = arith.constant 0 : i32
    %dma_start3A_229 = arith.constant 0 : i32
    %dma_start3A_230 = tpu.memref_slice %arg6[%dma_start3A_227, %dma_start3A_228, %dma_start3A_229] : memref<16x32x128xf32, #tpu.memory_space<vmem>> -> memref<1x32x128xf32, #tpu.memory_space<vmem>>
    %dma_start3A_231 = tpu.memref_squeeze %dma_start3A_230 : memref<1x32x128xf32, #tpu.memory_space<vmem>> -> memref<32x128xf32, #tpu.memory_space<vmem>>
    %dma_start3A_232 = arith.constant 0 : i32
    %dma_start3A_233 = tpu.memref_slice %arg2[%dma_start3A_232, %multiple_of3A_226] : memref<32x1000000xf32, #tpu.memory_space<hbm>> -> memref<32x128xf32, #tpu.memory_space<hbm>>
    %dma_start3A_234 = arith.constant 0 : i32
    %dma_start3A_235 = arith.constant 0 : i32
    %dma_start3A_236 = tpu.memref_slice %arg6[%dma_start3A_227, %dma_start3A_234, %dma_start3A_235] : memref<16x32x128xf32, #tpu.memory_space<vmem>> -> memref<1x32x128xf32, #tpu.memory_space<vmem>>
    %dma_start3A_237 = tpu.memref_squeeze %dma_start3A_236 : memref<1x32x128xf32, #tpu.memory_space<vmem>> -> memref<32x128xf32, #tpu.memory_space<vmem>>
    %dma_start3A_238 = arith.constant 0 : i32
    %dma_start3A_239 = tpu.memref_slice %arg2[%dma_start3A_238, %multiple_of3A_226] : memref<32x1000000xf32, #tpu.memory_space<hbm>> -> memref<32x128xf32, #tpu.memory_space<hbm>>
    tpu.enqueue_dma source(%dma_start3A_239 : memref<32x128xf32, #tpu.memory_space<hbm>>) target(%dma_start3A_237 : memref<32x128xf32, #tpu.memory_space<vmem>>) target_semaphore(%arg8 : memref<!tpu.dma_semaphore, #tpu.memory_space<semaphore_mem>>)
    %get3A_240 = arith.constant 11 : index
    %get3A_241 = tpu.vector_load %arg5[%get3A_240] {strides = array<i32>} : memref<528xi32, #tpu.memory_space<vmem>>, vector<16xi32>,
    %slice3A_242 = vector.extract_strided_slice %get3A_241 {offsets = [0], sizes = [1], strides = [1]} : vector<16xi32> to vector<1xi32>
    %squeeze3A_243 = vector.extract %slice3A_242[0] : i32 from vector<1xi32>
    %shift_right_logical3A_244 = arith.constant 7 : i32
    %shift_right_logical3A_245 = arith.shrui %squeeze3A_243, %shift_right_logical3A_244 : i32
    %mul3A_246 = arith.constant 128 : i32
    %mul3A_247 = arith.muli %shift_right_logical3A_245, %mul3A_246 : i32
    %multiple_of3A_248 = tpu.assume_multiple %mul3A_247, 128 : i32
    %dma_start3A_249 = arith.constant 11 : i32
    %dma_start3A_250 = arith.constant 0 : i32
    %dma_start3A_251 = arith.constant 0 : i32
    %dma_start3A_252 = tpu.memref_slice %arg6[%dma_start3A_249, %dma_start3A_250, %dma_start3A_251] : memref<16x32x128xf32, #tpu.memory_space<vmem>> -> memref<1x32x128xf32, #tpu.memory_space<vmem>>
    %dma_start3A_253 = tpu.memref_squeeze %dma_start3A_252 : memref<1x32x128xf32, #tpu.memory_space<vmem>> -> memref<32x128xf32, #tpu.memory_space<vmem>>
    %dma_start3A_254 = arith.constant 0 : i32
    %dma_start3A_255 = tpu.memref_slice %arg2[%dma_start3A_254, %multiple_of3A_248] : memref<32x1000000xf32, #tpu.memory_space<hbm>> -> memref<32x128xf32, #tpu.memory_space<hbm>>
    %dma_start3A_256 = arith.constant 0 : i32
    %dma_start3A_257 = arith.constant 0 : i32
    %dma_start3A_258 = tpu.memref_slice %arg6[%dma_start3A_249, %dma_start3A_256, %dma_start3A_257] : memref<16x32x128xf32, #tpu.memory_space<vmem>> -> memref<1x32x128xf32, #tpu.memory_space<vmem>>
    %dma_start3A_259 = tpu.memref_squeeze %dma_start3A_258 : memref<1x32x128xf32, #tpu.memory_space<vmem>> -> memref<32x128xf32, #tpu.memory_space<vmem>>
    %dma_start3A_260 = arith.constant 0 : i32
    %dma_start3A_261 = tpu.memref_slice %arg2[%dma_start3A_260, %multiple_of3A_248] : memref<32x1000000xf32, #tpu.memory_space<hbm>> -> memref<32x128xf32, #tpu.memory_space<hbm>>
    tpu.enqueue_dma source(%dma_start3A_261 : memref<32x128xf32, #tpu.memory_space<hbm>>) target(%dma_start3A_259 : memref<32x128xf32, #tpu.memory_space<vmem>>) target_semaphore(%arg8 : memref<!tpu.dma_semaphore, #tpu.memory_space<semaphore_mem>>)
    %get3A_262 = arith.constant 12 : index
    %get3A_263 = tpu.vector_load %arg5[%get3A_262] {strides = array<i32>} : memref<528xi32, #tpu.memory_space<vmem>>, vector<16xi32>,
    %slice3A_264 = vector.extract_strided_slice %get3A_263 {offsets = [0], sizes = [1], strides = [1]} : vector<16xi32> to vector<1xi32>
    %squeeze3A_265 = vector.extract %slice3A_264[0] : i32 from vector<1xi32>
    %shift_right_logical3A_266 = arith.constant 7 : i32
    %shift_right_logical3A_267 = arith.shrui %squeeze3A_265, %shift_right_logical3A_266 : i32
    %mul3A_268 = arith.constant 128 : i32
    %mul3A_269 = arith.muli %shift_right_logical3A_267, %mul3A_268 : i32
    %multiple_of3A_270 = tpu.assume_multiple %mul3A_269, 128 : i32
    %dma_start3A_271 = arith.constant 12 : i32
    %dma_start3A_272 = arith.constant 0 : i32
    %dma_start3A_273 = arith.constant 0 : i32
    %dma_start3A_274 = tpu.memref_slice %arg6[%dma_start3A_271, %dma_start3A_272, %dma_start3A_273] : memref<16x32x128xf32, #tpu.memory_space<vmem>> -> memref<1x32x128xf32, #tpu.memory_space<vmem>>
    %dma_start3A_275 = tpu.memref_squeeze %dma_start3A_274 : memref<1x32x128xf32, #tpu.memory_space<vmem>> -> memref<32x128xf32, #tpu.memory_space<vmem>>
    %dma_start3A_276 = arith.constant 0 : i32
    %dma_start3A_277 = tpu.memref_slice %arg2[%dma_start3A_276, %multiple_of3A_270] : memref<32x1000000xf32, #tpu.memory_space<hbm>> -> memref<32x128xf32, #tpu.memory_space<hbm>>
    %dma_start3A_278 = arith.constant 0 : i32
    %dma_start3A_279 = arith.constant 0 : i32
    %dma_start3A_280 = tpu.memref_slice %arg6[%dma_start3A_271, %dma_start3A_278, %dma_start3A_279] : memref<16x32x128xf32, #tpu.memory_space<vmem>> -> memref<1x32x128xf32, #tpu.memory_space<vmem>>
    %dma_start3A_281 = tpu.memref_squeeze %dma_start3A_280 : memref<1x32x128xf32, #tpu.memory_space<vmem>> -> memref<32x128xf32, #tpu.memory_space<vmem>>
    %dma_start3A_282 = arith.constant 0 : i32
    %dma_start3A_283 = tpu.memref_slice %arg2[%dma_start3A_282, %multiple_of3A_270] : memref<32x1000000xf32, #tpu.memory_space<hbm>> -> memref<32x128xf32, #tpu.memory_space<hbm>>
    tpu.enqueue_dma source(%dma_start3A_283 : memref<32x128xf32, #tpu.memory_space<hbm>>) target(%dma_start3A_281 : memref<32x128xf32, #tpu.memory_space<vmem>>) target_semaphore(%arg8 : memref<!tpu.dma_semaphore, #tpu.memory_space<semaphore_mem>>)
    %get3A_284 = arith.constant 13 : index
    %get3A_285 = tpu.vector_load %arg5[%get3A_284] {strides = array<i32>} : memref<528xi32, #tpu.memory_space<vmem>>, vector<16xi32>,
    %slice3A_286 = vector.extract_strided_slice %get3A_285 {offsets = [0], sizes = [1], strides = [1]} : vector<16xi32> to vector<1xi32>
    %squeeze3A_287 = vector.extract %slice3A_286[0] : i32 from vector<1xi32>
    %shift_right_logical3A_288 = arith.constant 7 : i32
    %shift_right_logical3A_289 = arith.shrui %squeeze3A_287, %shift_right_logical3A_288 : i32
    %mul3A_290 = arith.constant 128 : i32
    %mul3A_291 = arith.muli %shift_right_logical3A_289, %mul3A_290 : i32
    %multiple_of3A_292 = tpu.assume_multiple %mul3A_291, 128 : i32
    %dma_start3A_293 = arith.constant 13 : i32
    %dma_start3A_294 = arith.constant 0 : i32
    %dma_start3A_295 = arith.constant 0 : i32
    %dma_start3A_296 = tpu.memref_slice %arg6[%dma_start3A_293, %dma_start3A_294, %dma_start3A_295] : memref<16x32x128xf32, #tpu.memory_space<vmem>> -> memref<1x32x128xf32, #tpu.memory_space<vmem>>
    %dma_start3A_297 = tpu.memref_squeeze %dma_start3A_296 : memref<1x32x128xf32, #tpu.memory_space<vmem>> -> memref<32x128xf32, #tpu.memory_space<vmem>>
    %dma_start3A_298 = arith.constant 0 : i32
    %dma_start3A_299 = tpu.memref_slice %arg2[%dma_start3A_298, %multiple_of3A_292] : memref<32x1000000xf32, #tpu.memory_space<hbm>> -> memref<32x128xf32, #tpu.memory_space<hbm>>
    %dma_start3A_300 = arith.constant 0 : i32
    %dma_start3A_301 = arith.constant 0 : i32
    %dma_start3A_302 = tpu.memref_slice %arg6[%dma_start3A_293, %dma_start3A_300, %dma_start3A_301] : memref<16x32x128xf32, #tpu.memory_space<vmem>> -> memref<1x32x128xf32, #tpu.memory_space<vmem>>
    %dma_start3A_303 = tpu.memref_squeeze %dma_start3A_302 : memref<1x32x128xf32, #tpu.memory_space<vmem>> -> memref<32x128xf32, #tpu.memory_space<vmem>>
    %dma_start3A_304 = arith.constant 0 : i32
    %dma_start3A_305 = tpu.memref_slice %arg2[%dma_start3A_304, %multiple_of3A_292] : memref<32x1000000xf32, #tpu.memory_space<hbm>> -> memref<32x128xf32, #tpu.memory_space<hbm>>
    tpu.enqueue_dma source(%dma_start3A_305 : memref<32x128xf32, #tpu.memory_space<hbm>>) target(%dma_start3A_303 : memref<32x128xf32, #tpu.memory_space<vmem>>) target_semaphore(%arg8 : memref<!tpu.dma_semaphore, #tpu.memory_space<semaphore_mem>>)
    %get3A_306 = arith.constant 14 : index
    %get3A_307 = tpu.vector_load %arg5[%get3A_306] {strides = array<i32>} : memref<528xi32, #tpu.memory_space<vmem>>, vector<16xi32>,
    %slice3A_308 = vector.extract_strided_slice %get3A_307 {offsets = [0], sizes = [1], strides = [1]} : vector<16xi32> to vector<1xi32>
    %squeeze3A_309 = vector.extract %slice3A_308[0] : i32 from vector<1xi32>
    %shift_right_logical3A_310 = arith.constant 7 : i32
    %shift_right_logical3A_311 = arith.shrui %squeeze3A_309, %shift_right_logical3A_310 : i32
    %mul3A_312 = arith.constant 128 : i32
    %mul3A_313 = arith.muli %shift_right_logical3A_311, %mul3A_312 : i32
    %multiple_of3A_314 = tpu.assume_multiple %mul3A_313, 128 : i32
    %dma_start3A_315 = arith.constant 14 : i32
    %dma_start3A_316 = arith.constant 0 : i32
    %dma_start3A_317 = arith.constant 0 : i32
    %dma_start3A_318 = tpu.memref_slice %arg6[%dma_start3A_315, %dma_start3A_316, %dma_start3A_317] : memref<16x32x128xf32, #tpu.memory_space<vmem>> -> memref<1x32x128xf32, #tpu.memory_space<vmem>>
    %dma_start3A_319 = tpu.memref_squeeze %dma_start3A_318 : memref<1x32x128xf32, #tpu.memory_space<vmem>> -> memref<32x128xf32, #tpu.memory_space<vmem>>
    %dma_start3A_320 = arith.constant 0 : i32
    %dma_start3A_321 = tpu.memref_slice %arg2[%dma_start3A_320, %multiple_of3A_314] : memref<32x1000000xf32, #tpu.memory_space<hbm>> -> memref<32x128xf32, #tpu.memory_space<hbm>>
    %dma_start3A_322 = arith.constant 0 : i32
    %dma_start3A_323 = arith.constant 0 : i32
    %dma_start3A_324 = tpu.memref_slice %arg6[%dma_start3A_315, %dma_start3A_322, %dma_start3A_323] : memref<16x32x128xf32, #tpu.memory_space<vmem>> -> memref<1x32x128xf32, #tpu.memory_space<vmem>>
    %dma_start3A_325 = tpu.memref_squeeze %dma_start3A_324 : memref<1x32x128xf32, #tpu.memory_space<vmem>> -> memref<32x128xf32, #tpu.memory_space<vmem>>
    %dma_start3A_326 = arith.constant 0 : i32
    %dma_start3A_327 = tpu.memref_slice %arg2[%dma_start3A_326, %multiple_of3A_314] : memref<32x1000000xf32, #tpu.memory_space<hbm>> -> memref<32x128xf32, #tpu.memory_space<hbm>>
    tpu.enqueue_dma source(%dma_start3A_327 : memref<32x128xf32, #tpu.memory_space<hbm>>) target(%dma_start3A_325 : memref<32x128xf32, #tpu.memory_space<vmem>>) target_semaphore(%arg8 : memref<!tpu.dma_semaphore, #tpu.memory_space<semaphore_mem>>)
    %get3A_328 = arith.constant 15 : index
    %get3A_329 = tpu.vector_load %arg5[%get3A_328] {strides = array<i32>} : memref<528xi32, #tpu.memory_space<vmem>>, vector<16xi32>,
    %slice3A_330 = vector.extract_strided_slice %get3A_329 {offsets = [0], sizes = [1], strides = [1]} : vector<16xi32> to vector<1xi32>
    %squeeze3A_331 = vector.extract %slice3A_330[0] : i32 from vector<1xi32>
    %shift_right_logical3A_332 = arith.constant 7 : i32
    %shift_right_logical3A_333 = arith.shrui %squeeze3A_331, %shift_right_logical3A_332 : i32
    %mul3A_334 = arith.constant 128 : i32
    %mul3A_335 = arith.muli %shift_right_logical3A_333, %mul3A_334 : i32
    %multiple_of3A_336 = tpu.assume_multiple %mul3A_335, 128 : i32
    %dma_start3A_337 = arith.constant 15 : i32
    %dma_start3A_338 = arith.constant 0 : i32
    %dma_start3A_339 = arith.constant 0 : i32
    %dma_start3A_340 = tpu.memref_slice %arg6[%dma_start3A_337, %dma_start3A_338, %dma_start3A_339] : memref<16x32x128xf32, #tpu.memory_space<vmem>> -> memref<1x32x128xf32, #tpu.memory_space<vmem>>
    %dma_start3A_341 = tpu.memref_squeeze %dma_start3A_340 : memref<1x32x128xf32, #tpu.memory_space<vmem>> -> memref<32x128xf32, #tpu.memory_space<vmem>>
    %dma_start3A_342 = arith.constant 0 : i32
    %dma_start3A_343 = tpu.memref_slice %arg2[%dma_start3A_342, %multiple_of3A_336] : memref<32x1000000xf32, #tpu.memory_space<hbm>> -> memref<32x128xf32, #tpu.memory_space<hbm>>
    %dma_start3A_344 = arith.constant 0 : i32
    %dma_start3A_345 = arith.constant 0 : i32
    %dma_start3A_346 = tpu.memref_slice %arg6[%dma_start3A_337, %dma_start3A_344, %dma_start3A_345] : memref<16x32x128xf32, #tpu.memory_space<vmem>> -> memref<1x32x128xf32, #tpu.memory_space<vmem>>
    %dma_start3A_347 = tpu.memref_squeeze %dma_start3A_346 : memref<1x32x128xf32, #tpu.memory_space<vmem>> -> memref<32x128xf32, #tpu.memory_space<vmem>>
    %dma_start3A_348 = arith.constant 0 : i32
    %dma_start3A_349 = tpu.memref_slice %arg2[%dma_start3A_348, %multiple_of3A_336] : memref<32x1000000xf32, #tpu.memory_space<hbm>> -> memref<32x128xf32, #tpu.memory_space<hbm>>
    tpu.enqueue_dma source(%dma_start3A_349 : memref<32x128xf32, #tpu.memory_space<hbm>>) target(%dma_start3A_347 : memref<32x128xf32, #tpu.memory_space<vmem>>) target_semaphore(%arg8 : memref<!tpu.dma_semaphore, #tpu.memory_space<semaphore_mem>>)
    %iota3A = tpu.iota {dimensions = array<i32: 0>} : vector<16xi32>
    %add3A_350 = arith.constant 16 : i32
    %add3A_351 = vector.broadcast %add3A_350 : i32 to vector<16xi32>
    %add3A_352 = arith.addi %iota3A, %add3A_351 : vector<16xi32>
    %scan3A = arith.constant 0 : i32
    %scan3A_353 = arith.constant 0 : i32
    %scan3A_354 = arith.constant 32 : i32
    %scan3A_355 = arith.addi %scan3A_353, %scan3A_354 : i32
    %scan3A_356 = arith.constant 1 : i32
    %scan3A_357 = scf.for %scan3A_359 = %scan3A_353 to %scan3A_355 step %scan3A_356 iter_args(%scan3A_360 = %scan3A) -> (i32)  : i32 {
      %mul3A_361 = arith.constant 16 : i32
      %mul3A_362 = arith.muli %scan3A_359, %mul3A_361 : i32
      %add3A_363 = arith.constant 0 : i32
      %add3A_364 = arith.addi %mul3A_362, %add3A_363 : i32
      %dma_wait3A = arith.constant 0 : i32
      %dma_wait3A_365 = arith.constant 0 : i32
      %dma_wait3A_366 = arith.constant 0 : i32
      %dma_wait3A_367 = tpu.memref_slice %arg6[%dma_wait3A, %dma_wait3A_365, %dma_wait3A_366] : memref<16x32x128xf32, #tpu.memory_space<vmem>> -> memref<1x32x128xf32, #tpu.memory_space<vmem>>
      %dma_wait3A_368 = tpu.memref_squeeze %dma_wait3A_367 : memref<1x32x128xf32, #tpu.memory_space<vmem>> -> memref<32x128xf32, #tpu.memory_space<vmem>>
      %dma_wait3A_369 = arith.constant 0 : i32
      %dma_wait3A_370 = arith.constant 0 : i32
      %dma_wait3A_371 = tpu.memref_slice %arg2[%dma_wait3A_369, %dma_wait3A_370] : memref<32x1000000xf32, #tpu.memory_space<hbm>> -> memref<32x128xf32, #tpu.memory_space<hbm>>
      %dma_wait3A_372 = arith.constant 0 : i32
      %dma_wait3A_373 = arith.constant 0 : i32
      %dma_wait3A_374 = tpu.memref_slice %arg6[%dma_wait3A, %dma_wait3A_372, %dma_wait3A_373] : memref<16x32x128xf32, #tpu.memory_space<vmem>> -> memref<1x32x128xf32, #tpu.memory_space<vmem>>
      %dma_wait3A_375 = tpu.memref_squeeze %dma_wait3A_374 : memref<1x32x128xf32, #tpu.memory_space<vmem>> -> memref<32x128xf32, #tpu.memory_space<vmem>>
      %dma_wait3A_376 = arith.constant 0 : i32
      %dma_wait3A_377 = arith.constant 0 : i32
      %dma_wait3A_378 = tpu.memref_slice %arg2[%dma_wait3A_376, %dma_wait3A_377] : memref<32x1000000xf32, #tpu.memory_space<hbm>> -> memref<32x128xf32, #tpu.memory_space<hbm>>
      tpu.wait_dma2 semaphore(%arg8 : memref<!tpu.dma_semaphore, #tpu.memory_space<semaphore_mem>>) src(%dma_wait3A_378 : memref<32x128xf32, #tpu.memory_space<hbm>>) dst(%dma_wait3A_375 : memref<32x128xf32, #tpu.memory_space<vmem>>)
      %get3A_379 = arith.index_cast %add3A_364 : i32 to index
      %get3A_380 = tpu.vector_load %arg5[%get3A_379] {strides = array<i32>} : memref<528xi32, #tpu.memory_space<vmem>>, vector<16xi32>,
      %slice3A_381 = vector.extract_strided_slice %get3A_380 {offsets = [0], sizes = [1], strides = [1]} : vector<16xi32> to vector<1xi32>
      %squeeze3A_382 = vector.extract %slice3A_381[0] : i32 from vector<1xi32>
      %and3A = arith.constant 127 : i32
      %and3A_383 = arith.andi %squeeze3A_382, %and3A : i32
      %broadcast_in_dim3A = vector.broadcast %and3A_383 : i32 to vector<16xi32>
      %broadcast_in_dim3A_384 = arith.constant 0 : i32
      %broadcast_in_dim3A_385 = vector.broadcast %broadcast_in_dim3A_384 : i32 to vector<16xi32>
      %broadcast_in_dim3A_386 = vector.broadcast %add3A_364 : i32 to vector<16xi32>
      %gather3A = tpu.vector_load_idx %arg6[%broadcast_in_dim3A_385, %iota3A, %broadcast_in_dim3A] : memref<16x32x128xf32, #tpu.memory_space<vmem>>[vector<16xi32>, vector<16xi32>, vector<16xi32>], vector<16xf32>,
      %gather3A_387 = tpu.vector_load_idx %arg6[%broadcast_in_dim3A_385, %add3A_352, %broadcast_in_dim3A] : memref<16x32x128xf32, #tpu.memory_space<vmem>>[vector<16xi32>, vector<16xi32>, vector<16xi32>], vector<16xf32>,
      tpu.vector_store_idx %arg7[%iota3A, %broadcast_in_dim3A_386], %gather3A : memref<32x512xf32, #tpu.memory_space<vmem>>[vector<16xi32>, vector<16xi32>], vector<16xf32>,
      tpu.vector_store_idx %arg7[%add3A_352, %broadcast_in_dim3A_386], %gather3A_387 : memref<32x512xf32, #tpu.memory_space<vmem>>[vector<16xi32>, vector<16xi32>], vector<16xf32>,
      %add3A_388 = arith.constant 16 : i32
      %add3A_389 = arith.addi %add3A_364, %add3A_388 : i32
      %lt3A = arith.constant 512 : i32
      %lt3A_390 = arith.cmpi slt, %add3A_389, %lt3A : i32
      %convert_element_type3A = arith.extui %lt3A_390 : i1 to i32
      %cond3A = arith.constant 0 : i32
      %cond3A_391 = arith.cmpi ne, %convert_element_type3A, %cond3A : i32
      scf.if %cond3A_391 {
        %add3A_933 = arith.constant 16 : i32
        %add3A_934 = arith.addi %add3A_364, %add3A_933 : i32
        %get3A_935 = arith.index_cast %add3A_934 : i32 to index
        %get3A_936 = tpu.vector_load %arg5[%get3A_935] {strides = array<i32>} : memref<528xi32, #tpu.memory_space<vmem>>, vector<16xi32>,
        %slice3A_937 = vector.extract_strided_slice %get3A_936 {offsets = [0], sizes = [1], strides = [1]} : vector<16xi32> to vector<1xi32>
        %squeeze3A_938 = vector.extract %slice3A_937[0] : i32 from vector<1xi32>
        %shift_right_logical3A_939 = arith.constant 7 : i32
        %shift_right_logical3A_940 = arith.shrui %squeeze3A_938, %shift_right_logical3A_939 : i32
        %mul3A_941 = arith.constant 128 : i32
        %mul3A_942 = arith.muli %shift_right_logical3A_940, %mul3A_941 : i32
        %multiple_of3A_943 = tpu.assume_multiple %mul3A_942, 128 : i32
        %dma_start3A_944 = arith.constant 0 : i32
        %dma_start3A_945 = arith.constant 0 : i32
        %dma_start3A_946 = arith.constant 0 : i32
        %dma_start3A_947 = tpu.memref_slice %arg6[%dma_start3A_944, %dma_start3A_945, %dma_start3A_946] : memref<16x32x128xf32, #tpu.memory_space<vmem>> -> memref<1x32x128xf32, #tpu.memory_space<vmem>>
        %dma_start3A_948 = tpu.memref_squeeze %dma_start3A_947 : memref<1x32x128xf32, #tpu.memory_space<vmem>> -> memref<32x128xf32, #tpu.memory_space<vmem>>
        %dma_start3A_949 = arith.constant 0 : i32
        %dma_start3A_950 = tpu.memref_slice %arg2[%dma_start3A_949, %multiple_of3A_943] : memref<32x1000000xf32, #tpu.memory_space<hbm>> -> memref<32x128xf32, #tpu.memory_space<hbm>>
        %dma_start3A_951 = arith.constant 0 : i32
        %dma_start3A_952 = arith.constant 0 : i32
        %dma_start3A_953 = tpu.memref_slice %arg6[%dma_start3A_944, %dma_start3A_951, %dma_start3A_952] : memref<16x32x128xf32, #tpu.memory_space<vmem>> -> memref<1x32x128xf32, #tpu.memory_space<vmem>>
        %dma_start3A_954 = tpu.memref_squeeze %dma_start3A_953 : memref<1x32x128xf32, #tpu.memory_space<vmem>> -> memref<32x128xf32, #tpu.memory_space<vmem>>
        %dma_start3A_955 = arith.constant 0 : i32
        %dma_start3A_956 = tpu.memref_slice %arg2[%dma_start3A_955, %multiple_of3A_943] : memref<32x1000000xf32, #tpu.memory_space<hbm>> -> memref<32x128xf32, #tpu.memory_space<hbm>>
        tpu.enqueue_dma source(%dma_start3A_956 : memref<32x128xf32, #tpu.memory_space<hbm>>) target(%dma_start3A_954 : memref<32x128xf32, #tpu.memory_space<vmem>>) target_semaphore(%arg8 : memref<!tpu.dma_semaphore, #tpu.memory_space<semaphore_mem>>)
      } else {
      }
      %add3A_392 = arith.constant 1 : i32
      %add3A_393 = arith.addi %mul3A_362, %add3A_392 : i32
      %dma_wait3A_394 = arith.constant 1 : i32
      %dma_wait3A_395 = arith.constant 0 : i32
      %dma_wait3A_396 = arith.constant 0 : i32
      %dma_wait3A_397 = tpu.memref_slice %arg6[%dma_wait3A_394, %dma_wait3A_395, %dma_wait3A_396] : memref<16x32x128xf32, #tpu.memory_space<vmem>> -> memref<1x32x128xf32, #tpu.memory_space<vmem>>
      %dma_wait3A_398 = tpu.memref_squeeze %dma_wait3A_397 : memref<1x32x128xf32, #tpu.memory_space<vmem>> -> memref<32x128xf32, #tpu.memory_space<vmem>>
      %dma_wait3A_399 = arith.constant 0 : i32
      %dma_wait3A_400 = arith.constant 0 : i32
      %dma_wait3A_401 = tpu.memref_slice %arg2[%dma_wait3A_399, %dma_wait3A_400] : memref<32x1000000xf32, #tpu.memory_space<hbm>> -> memref<32x128xf32, #tpu.memory_space<hbm>>
      %dma_wait3A_402 = arith.constant 0 : i32
      %dma_wait3A_403 = arith.constant 0 : i32
      %dma_wait3A_404 = tpu.memref_slice %arg6[%dma_wait3A_394, %dma_wait3A_402, %dma_wait3A_403] : memref<16x32x128xf32, #tpu.memory_space<vmem>> -> memref<1x32x128xf32, #tpu.memory_space<vmem>>
      %dma_wait3A_405 = tpu.memref_squeeze %dma_wait3A_404 : memref<1x32x128xf32, #tpu.memory_space<vmem>> -> memref<32x128xf32, #tpu.memory_space<vmem>>
      %dma_wait3A_406 = arith.constant 0 : i32
      %dma_wait3A_407 = arith.constant 0 : i32
      %dma_wait3A_408 = tpu.memref_slice %arg2[%dma_wait3A_406, %dma_wait3A_407] : memref<32x1000000xf32, #tpu.memory_space<hbm>> -> memref<32x128xf32, #tpu.memory_space<hbm>>
      tpu.wait_dma2 semaphore(%arg8 : memref<!tpu.dma_semaphore, #tpu.memory_space<semaphore_mem>>) src(%dma_wait3A_408 : memref<32x128xf32, #tpu.memory_space<hbm>>) dst(%dma_wait3A_405 : memref<32x128xf32, #tpu.memory_space<vmem>>)
      %get3A_409 = arith.index_cast %add3A_393 : i32 to index
      %get3A_410 = tpu.vector_load %arg5[%get3A_409] {strides = array<i32>} : memref<528xi32, #tpu.memory_space<vmem>>, vector<16xi32>,
      %slice3A_411 = vector.extract_strided_slice %get3A_410 {offsets = [0], sizes = [1], strides = [1]} : vector<16xi32> to vector<1xi32>
      %squeeze3A_412 = vector.extract %slice3A_411[0] : i32 from vector<1xi32>
      %and3A_413 = arith.constant 127 : i32
      %and3A_414 = arith.andi %squeeze3A_412, %and3A_413 : i32
      %broadcast_in_dim3A_415 = vector.broadcast %and3A_414 : i32 to vector<16xi32>
      %broadcast_in_dim3A_416 = arith.constant 1 : i32
      %broadcast_in_dim3A_417 = vector.broadcast %broadcast_in_dim3A_416 : i32 to vector<16xi32>
      %broadcast_in_dim3A_418 = vector.broadcast %add3A_393 : i32 to vector<16xi32>
      %gather3A_419 = tpu.vector_load_idx %arg6[%broadcast_in_dim3A_417, %iota3A, %broadcast_in_dim3A_415] : memref<16x32x128xf32, #tpu.memory_space<vmem>>[vector<16xi32>, vector<16xi32>, vector<16xi32>], vector<16xf32>,
      %gather3A_420 = tpu.vector_load_idx %arg6[%broadcast_in_dim3A_417, %add3A_352, %broadcast_in_dim3A_415] : memref<16x32x128xf32, #tpu.memory_space<vmem>>[vector<16xi32>, vector<16xi32>, vector<16xi32>], vector<16xf32>,
      tpu.vector_store_idx %arg7[%iota3A, %broadcast_in_dim3A_418], %gather3A_419 : memref<32x512xf32, #tpu.memory_space<vmem>>[vector<16xi32>, vector<16xi32>], vector<16xf32>,
      tpu.vector_store_idx %arg7[%add3A_352, %broadcast_in_dim3A_418], %gather3A_420 : memref<32x512xf32, #tpu.memory_space<vmem>>[vector<16xi32>, vector<16xi32>], vector<16xf32>,
      %add3A_421 = arith.constant 16 : i32
      %add3A_422 = arith.addi %add3A_393, %add3A_421 : i32
      %lt3A_423 = arith.constant 512 : i32
      %lt3A_424 = arith.cmpi slt, %add3A_422, %lt3A_423 : i32
      %convert_element_type3A_425 = arith.extui %lt3A_424 : i1 to i32
      %cond3A_426 = arith.constant 0 : i32
      %cond3A_427 = arith.cmpi ne, %convert_element_type3A_425, %cond3A_426 : i32
      scf.if %cond3A_427 {
        %add3A_933 = arith.constant 16 : i32
        %add3A_934 = arith.addi %add3A_393, %add3A_933 : i32
        %get3A_935 = arith.index_cast %add3A_934 : i32 to index
        %get3A_936 = tpu.vector_load %arg5[%get3A_935] {strides = array<i32>} : memref<528xi32, #tpu.memory_space<vmem>>, vector<16xi32>,
        %slice3A_937 = vector.extract_strided_slice %get3A_936 {offsets = [0], sizes = [1], strides = [1]} : vector<16xi32> to vector<1xi32>
        %squeeze3A_938 = vector.extract %slice3A_937[0] : i32 from vector<1xi32>
        %shift_right_logical3A_939 = arith.constant 7 : i32
        %shift_right_logical3A_940 = arith.shrui %squeeze3A_938, %shift_right_logical3A_939 : i32
        %mul3A_941 = arith.constant 128 : i32
        %mul3A_942 = arith.muli %shift_right_logical3A_940, %mul3A_941 : i32
        %multiple_of3A_943 = tpu.assume_multiple %mul3A_942, 128 : i32
        %dma_start3A_944 = arith.constant 1 : i32
        %dma_start3A_945 = arith.constant 0 : i32
        %dma_start3A_946 = arith.constant 0 : i32
        %dma_start3A_947 = tpu.memref_slice %arg6[%dma_start3A_944, %dma_start3A_945, %dma_start3A_946] : memref<16x32x128xf32, #tpu.memory_space<vmem>> -> memref<1x32x128xf32, #tpu.memory_space<vmem>>
        %dma_start3A_948 = tpu.memref_squeeze %dma_start3A_947 : memref<1x32x128xf32, #tpu.memory_space<vmem>> -> memref<32x128xf32, #tpu.memory_space<vmem>>
        %dma_start3A_949 = arith.constant 0 : i32
        %dma_start3A_950 = tpu.memref_slice %arg2[%dma_start3A_949, %multiple_of3A_943] : memref<32x1000000xf32, #tpu.memory_space<hbm>> -> memref<32x128xf32, #tpu.memory_space<hbm>>
        %dma_start3A_951 = arith.constant 0 : i32
        %dma_start3A_952 = arith.constant 0 : i32
        %dma_start3A_953 = tpu.memref_slice %arg6[%dma_start3A_944, %dma_start3A_951, %dma_start3A_952] : memref<16x32x128xf32, #tpu.memory_space<vmem>> -> memref<1x32x128xf32, #tpu.memory_space<vmem>>
        %dma_start3A_954 = tpu.memref_squeeze %dma_start3A_953 : memref<1x32x128xf32, #tpu.memory_space<vmem>> -> memref<32x128xf32, #tpu.memory_space<vmem>>
        %dma_start3A_955 = arith.constant 0 : i32
        %dma_start3A_956 = tpu.memref_slice %arg2[%dma_start3A_955, %multiple_of3A_943] : memref<32x1000000xf32, #tpu.memory_space<hbm>> -> memref<32x128xf32, #tpu.memory_space<hbm>>
        tpu.enqueue_dma source(%dma_start3A_956 : memref<32x128xf32, #tpu.memory_space<hbm>>) target(%dma_start3A_954 : memref<32x128xf32, #tpu.memory_space<vmem>>) target_semaphore(%arg8 : memref<!tpu.dma_semaphore, #tpu.memory_space<semaphore_mem>>)
      } else {
      }
      %add3A_428 = arith.constant 2 : i32
      %add3A_429 = arith.addi %mul3A_362, %add3A_428 : i32
      %dma_wait3A_430 = arith.constant 2 : i32
      %dma_wait3A_431 = arith.constant 0 : i32
      %dma_wait3A_432 = arith.constant 0 : i32
      %dma_wait3A_433 = tpu.memref_slice %arg6[%dma_wait3A_430, %dma_wait3A_431, %dma_wait3A_432] : memref<16x32x128xf32, #tpu.memory_space<vmem>> -> memref<1x32x128xf32, #tpu.memory_space<vmem>>
      %dma_wait3A_434 = tpu.memref_squeeze %dma_wait3A_433 : memref<1x32x128xf32, #tpu.memory_space<vmem>> -> memref<32x128xf32, #tpu.memory_space<vmem>>
      %dma_wait3A_435 = arith.constant 0 : i32
      %dma_wait3A_436 = arith.constant 0 : i32
      %dma_wait3A_437 = tpu.memref_slice %arg2[%dma_wait3A_435, %dma_wait3A_436] : memref<32x1000000xf32, #tpu.memory_space<hbm>> -> memref<32x128xf32, #tpu.memory_space<hbm>>
      %dma_wait3A_438 = arith.constant 0 : i32
      %dma_wait3A_439 = arith.constant 0 : i32
      %dma_wait3A_440 = tpu.memref_slice %arg6[%dma_wait3A_430, %dma_wait3A_438, %dma_wait3A_439] : memref<16x32x128xf32, #tpu.memory_space<vmem>> -> memref<1x32x128xf32, #tpu.memory_space<vmem>>
      %dma_wait3A_441 = tpu.memref_squeeze %dma_wait3A_440 : memref<1x32x128xf32, #tpu.memory_space<vmem>> -> memref<32x128xf32, #tpu.memory_space<vmem>>
      %dma_wait3A_442 = arith.constant 0 : i32
      %dma_wait3A_443 = arith.constant 0 : i32
      %dma_wait3A_444 = tpu.memref_slice %arg2[%dma_wait3A_442, %dma_wait3A_443] : memref<32x1000000xf32, #tpu.memory_space<hbm>> -> memref<32x128xf32, #tpu.memory_space<hbm>>
      tpu.wait_dma2 semaphore(%arg8 : memref<!tpu.dma_semaphore, #tpu.memory_space<semaphore_mem>>) src(%dma_wait3A_444 : memref<32x128xf32, #tpu.memory_space<hbm>>) dst(%dma_wait3A_441 : memref<32x128xf32, #tpu.memory_space<vmem>>)
      %get3A_445 = arith.index_cast %add3A_429 : i32 to index
      %get3A_446 = tpu.vector_load %arg5[%get3A_445] {strides = array<i32>} : memref<528xi32, #tpu.memory_space<vmem>>, vector<16xi32>,
      %slice3A_447 = vector.extract_strided_slice %get3A_446 {offsets = [0], sizes = [1], strides = [1]} : vector<16xi32> to vector<1xi32>
      %squeeze3A_448 = vector.extract %slice3A_447[0] : i32 from vector<1xi32>
      %and3A_449 = arith.constant 127 : i32
      %and3A_450 = arith.andi %squeeze3A_448, %and3A_449 : i32
      %broadcast_in_dim3A_451 = vector.broadcast %and3A_450 : i32 to vector<16xi32>
      %broadcast_in_dim3A_452 = arith.constant 2 : i32
      %broadcast_in_dim3A_453 = vector.broadcast %broadcast_in_dim3A_452 : i32 to vector<16xi32>
      %broadcast_in_dim3A_454 = vector.broadcast %add3A_429 : i32 to vector<16xi32>
      %gather3A_455 = tpu.vector_load_idx %arg6[%broadcast_in_dim3A_453, %iota3A, %broadcast_in_dim3A_451] : memref<16x32x128xf32, #tpu.memory_space<vmem>>[vector<16xi32>, vector<16xi32>, vector<16xi32>], vector<16xf32>,
      %gather3A_456 = tpu.vector_load_idx %arg6[%broadcast_in_dim3A_453, %add3A_352, %broadcast_in_dim3A_451] : memref<16x32x128xf32, #tpu.memory_space<vmem>>[vector<16xi32>, vector<16xi32>, vector<16xi32>], vector<16xf32>,
      tpu.vector_store_idx %arg7[%iota3A, %broadcast_in_dim3A_454], %gather3A_455 : memref<32x512xf32, #tpu.memory_space<vmem>>[vector<16xi32>, vector<16xi32>], vector<16xf32>,
      tpu.vector_store_idx %arg7[%add3A_352, %broadcast_in_dim3A_454], %gather3A_456 : memref<32x512xf32, #tpu.memory_space<vmem>>[vector<16xi32>, vector<16xi32>], vector<16xf32>,
      %add3A_457 = arith.constant 16 : i32
      %add3A_458 = arith.addi %add3A_429, %add3A_457 : i32
      %lt3A_459 = arith.constant 512 : i32
      %lt3A_460 = arith.cmpi slt, %add3A_458, %lt3A_459 : i32
      %convert_element_type3A_461 = arith.extui %lt3A_460 : i1 to i32
      %cond3A_462 = arith.constant 0 : i32
      %cond3A_463 = arith.cmpi ne, %convert_element_type3A_461, %cond3A_462 : i32
      scf.if %cond3A_463 {
        %add3A_933 = arith.constant 16 : i32
        %add3A_934 = arith.addi %add3A_429, %add3A_933 : i32
        %get3A_935 = arith.index_cast %add3A_934 : i32 to index
        %get3A_936 = tpu.vector_load %arg5[%get3A_935] {strides = array<i32>} : memref<528xi32, #tpu.memory_space<vmem>>, vector<16xi32>,
        %slice3A_937 = vector.extract_strided_slice %get3A_936 {offsets = [0], sizes = [1], strides = [1]} : vector<16xi32> to vector<1xi32>
        %squeeze3A_938 = vector.extract %slice3A_937[0] : i32 from vector<1xi32>
        %shift_right_logical3A_939 = arith.constant 7 : i32
        %shift_right_logical3A_940 = arith.shrui %squeeze3A_938, %shift_right_logical3A_939 : i32
        %mul3A_941 = arith.constant 128 : i32
        %mul3A_942 = arith.muli %shift_right_logical3A_940, %mul3A_941 : i32
        %multiple_of3A_943 = tpu.assume_multiple %mul3A_942, 128 : i32
        %dma_start3A_944 = arith.constant 2 : i32
        %dma_start3A_945 = arith.constant 0 : i32
        %dma_start3A_946 = arith.constant 0 : i32
        %dma_start3A_947 = tpu.memref_slice %arg6[%dma_start3A_944, %dma_start3A_945, %dma_start3A_946] : memref<16x32x128xf32, #tpu.memory_space<vmem>> -> memref<1x32x128xf32, #tpu.memory_space<vmem>>
        %dma_start3A_948 = tpu.memref_squeeze %dma_start3A_947 : memref<1x32x128xf32, #tpu.memory_space<vmem>> -> memref<32x128xf32, #tpu.memory_space<vmem>>
        %dma_start3A_949 = arith.constant 0 : i32
        %dma_start3A_950 = tpu.memref_slice %arg2[%dma_start3A_949, %multiple_of3A_943] : memref<32x1000000xf32, #tpu.memory_space<hbm>> -> memref<32x128xf32, #tpu.memory_space<hbm>>
        %dma_start3A_951 = arith.constant 0 : i32
        %dma_start3A_952 = arith.constant 0 : i32
        %dma_start3A_953 = tpu.memref_slice %arg6[%dma_start3A_944, %dma_start3A_951, %dma_start3A_952] : memref<16x32x128xf32, #tpu.memory_space<vmem>> -> memref<1x32x128xf32, #tpu.memory_space<vmem>>
        %dma_start3A_954 = tpu.memref_squeeze %dma_start3A_953 : memref<1x32x128xf32, #tpu.memory_space<vmem>> -> memref<32x128xf32, #tpu.memory_space<vmem>>
        %dma_start3A_955 = arith.constant 0 : i32
        %dma_start3A_956 = tpu.memref_slice %arg2[%dma_start3A_955, %multiple_of3A_943] : memref<32x1000000xf32, #tpu.memory_space<hbm>> -> memref<32x128xf32, #tpu.memory_space<hbm>>
        tpu.enqueue_dma source(%dma_start3A_956 : memref<32x128xf32, #tpu.memory_space<hbm>>) target(%dma_start3A_954 : memref<32x128xf32, #tpu.memory_space<vmem>>) target_semaphore(%arg8 : memref<!tpu.dma_semaphore, #tpu.memory_space<semaphore_mem>>)
      } else {
      }
      %add3A_464 = arith.constant 3 : i32
      %add3A_465 = arith.addi %mul3A_362, %add3A_464 : i32
      %dma_wait3A_466 = arith.constant 3 : i32
      %dma_wait3A_467 = arith.constant 0 : i32
      %dma_wait3A_468 = arith.constant 0 : i32
      %dma_wait3A_469 = tpu.memref_slice %arg6[%dma_wait3A_466, %dma_wait3A_467, %dma_wait3A_468] : memref<16x32x128xf32, #tpu.memory_space<vmem>> -> memref<1x32x128xf32, #tpu.memory_space<vmem>>
      %dma_wait3A_470 = tpu.memref_squeeze %dma_wait3A_469 : memref<1x32x128xf32, #tpu.memory_space<vmem>> -> memref<32x128xf32, #tpu.memory_space<vmem>>
      %dma_wait3A_471 = arith.constant 0 : i32
      %dma_wait3A_472 = arith.constant 0 : i32
      %dma_wait3A_473 = tpu.memref_slice %arg2[%dma_wait3A_471, %dma_wait3A_472] : memref<32x1000000xf32, #tpu.memory_space<hbm>> -> memref<32x128xf32, #tpu.memory_space<hbm>>
      %dma_wait3A_474 = arith.constant 0 : i32
      %dma_wait3A_475 = arith.constant 0 : i32
      %dma_wait3A_476 = tpu.memref_slice %arg6[%dma_wait3A_466, %dma_wait3A_474, %dma_wait3A_475] : memref<16x32x128xf32, #tpu.memory_space<vmem>> -> memref<1x32x128xf32, #tpu.memory_space<vmem>>
      %dma_wait3A_477 = tpu.memref_squeeze %dma_wait3A_476 : memref<1x32x128xf32, #tpu.memory_space<vmem>> -> memref<32x128xf32, #tpu.memory_space<vmem>>
      %dma_wait3A_478 = arith.constant 0 : i32
      %dma_wait3A_479 = arith.constant 0 : i32
      %dma_wait3A_480 = tpu.memref_slice %arg2[%dma_wait3A_478, %dma_wait3A_479] : memref<32x1000000xf32, #tpu.memory_space<hbm>> -> memref<32x128xf32, #tpu.memory_space<hbm>>
      tpu.wait_dma2 semaphore(%arg8 : memref<!tpu.dma_semaphore, #tpu.memory_space<semaphore_mem>>) src(%dma_wait3A_480 : memref<32x128xf32, #tpu.memory_space<hbm>>) dst(%dma_wait3A_477 : memref<32x128xf32, #tpu.memory_space<vmem>>)
      %get3A_481 = arith.index_cast %add3A_465 : i32 to index
      %get3A_482 = tpu.vector_load %arg5[%get3A_481] {strides = array<i32>} : memref<528xi32, #tpu.memory_space<vmem>>, vector<16xi32>,
      %slice3A_483 = vector.extract_strided_slice %get3A_482 {offsets = [0], sizes = [1], strides = [1]} : vector<16xi32> to vector<1xi32>
      %squeeze3A_484 = vector.extract %slice3A_483[0] : i32 from vector<1xi32>
      %and3A_485 = arith.constant 127 : i32
      %and3A_486 = arith.andi %squeeze3A_484, %and3A_485 : i32
      %broadcast_in_dim3A_487 = vector.broadcast %and3A_486 : i32 to vector<16xi32>
      %broadcast_in_dim3A_488 = arith.constant 3 : i32
      %broadcast_in_dim3A_489 = vector.broadcast %broadcast_in_dim3A_488 : i32 to vector<16xi32>
      %broadcast_in_dim3A_490 = vector.broadcast %add3A_465 : i32 to vector<16xi32>
      %gather3A_491 = tpu.vector_load_idx %arg6[%broadcast_in_dim3A_489, %iota3A, %broadcast_in_dim3A_487] : memref<16x32x128xf32, #tpu.memory_space<vmem>>[vector<16xi32>, vector<16xi32>, vector<16xi32>], vector<16xf32>,
      %gather3A_492 = tpu.vector_load_idx %arg6[%broadcast_in_dim3A_489, %add3A_352, %broadcast_in_dim3A_487] : memref<16x32x128xf32, #tpu.memory_space<vmem>>[vector<16xi32>, vector<16xi32>, vector<16xi32>], vector<16xf32>,
      tpu.vector_store_idx %arg7[%iota3A, %broadcast_in_dim3A_490], %gather3A_491 : memref<32x512xf32, #tpu.memory_space<vmem>>[vector<16xi32>, vector<16xi32>], vector<16xf32>,
      tpu.vector_store_idx %arg7[%add3A_352, %broadcast_in_dim3A_490], %gather3A_492 : memref<32x512xf32, #tpu.memory_space<vmem>>[vector<16xi32>, vector<16xi32>], vector<16xf32>,
      %add3A_493 = arith.constant 16 : i32
      %add3A_494 = arith.addi %add3A_465, %add3A_493 : i32
      %lt3A_495 = arith.constant 512 : i32
      %lt3A_496 = arith.cmpi slt, %add3A_494, %lt3A_495 : i32
      %convert_element_type3A_497 = arith.extui %lt3A_496 : i1 to i32
      %cond3A_498 = arith.constant 0 : i32
      %cond3A_499 = arith.cmpi ne, %convert_element_type3A_497, %cond3A_498 : i32
      scf.if %cond3A_499 {
        %add3A_933 = arith.constant 16 : i32
        %add3A_934 = arith.addi %add3A_465, %add3A_933 : i32
        %get3A_935 = arith.index_cast %add3A_934 : i32 to index
        %get3A_936 = tpu.vector_load %arg5[%get3A_935] {strides = array<i32>} : memref<528xi32, #tpu.memory_space<vmem>>, vector<16xi32>,
        %slice3A_937 = vector.extract_strided_slice %get3A_936 {offsets = [0], sizes = [1], strides = [1]} : vector<16xi32> to vector<1xi32>
        %squeeze3A_938 = vector.extract %slice3A_937[0] : i32 from vector<1xi32>
        %shift_right_logical3A_939 = arith.constant 7 : i32
        %shift_right_logical3A_940 = arith.shrui %squeeze3A_938, %shift_right_logical3A_939 : i32
        %mul3A_941 = arith.constant 128 : i32
        %mul3A_942 = arith.muli %shift_right_logical3A_940, %mul3A_941 : i32
        %multiple_of3A_943 = tpu.assume_multiple %mul3A_942, 128 : i32
        %dma_start3A_944 = arith.constant 3 : i32
        %dma_start3A_945 = arith.constant 0 : i32
        %dma_start3A_946 = arith.constant 0 : i32
        %dma_start3A_947 = tpu.memref_slice %arg6[%dma_start3A_944, %dma_start3A_945, %dma_start3A_946] : memref<16x32x128xf32, #tpu.memory_space<vmem>> -> memref<1x32x128xf32, #tpu.memory_space<vmem>>
        %dma_start3A_948 = tpu.memref_squeeze %dma_start3A_947 : memref<1x32x128xf32, #tpu.memory_space<vmem>> -> memref<32x128xf32, #tpu.memory_space<vmem>>
        %dma_start3A_949 = arith.constant 0 : i32
        %dma_start3A_950 = tpu.memref_slice %arg2[%dma_start3A_949, %multiple_of3A_943] : memref<32x1000000xf32, #tpu.memory_space<hbm>> -> memref<32x128xf32, #tpu.memory_space<hbm>>
        %dma_start3A_951 = arith.constant 0 : i32
        %dma_start3A_952 = arith.constant 0 : i32
        %dma_start3A_953 = tpu.memref_slice %arg6[%dma_start3A_944, %dma_start3A_951, %dma_start3A_952] : memref<16x32x128xf32, #tpu.memory_space<vmem>> -> memref<1x32x128xf32, #tpu.memory_space<vmem>>
        %dma_start3A_954 = tpu.memref_squeeze %dma_start3A_953 : memref<1x32x128xf32, #tpu.memory_space<vmem>> -> memref<32x128xf32, #tpu.memory_space<vmem>>
        %dma_start3A_955 = arith.constant 0 : i32
        %dma_start3A_956 = tpu.memref_slice %arg2[%dma_start3A_955, %multiple_of3A_943] : memref<32x1000000xf32, #tpu.memory_space<hbm>> -> memref<32x128xf32, #tpu.memory_space<hbm>>
        tpu.enqueue_dma source(%dma_start3A_956 : memref<32x128xf32, #tpu.memory_space<hbm>>) target(%dma_start3A_954 : memref<32x128xf32, #tpu.memory_space<vmem>>) target_semaphore(%arg8 : memref<!tpu.dma_semaphore, #tpu.memory_space<semaphore_mem>>)
      } else {
      }
      %add3A_500 = arith.constant 4 : i32
      %add3A_501 = arith.addi %mul3A_362, %add3A_500 : i32
      %dma_wait3A_502 = arith.constant 4 : i32
      %dma_wait3A_503 = arith.constant 0 : i32
      %dma_wait3A_504 = arith.constant 0 : i32
      %dma_wait3A_505 = tpu.memref_slice %arg6[%dma_wait3A_502, %dma_wait3A_503, %dma_wait3A_504] : memref<16x32x128xf32, #tpu.memory_space<vmem>> -> memref<1x32x128xf32, #tpu.memory_space<vmem>>
      %dma_wait3A_506 = tpu.memref_squeeze %dma_wait3A_505 : memref<1x32x128xf32, #tpu.memory_space<vmem>> -> memref<32x128xf32, #tpu.memory_space<vmem>>
      %dma_wait3A_507 = arith.constant 0 : i32
      %dma_wait3A_508 = arith.constant 0 : i32
      %dma_wait3A_509 = tpu.memref_slice %arg2[%dma_wait3A_507, %dma_wait3A_508] : memref<32x1000000xf32, #tpu.memory_space<hbm>> -> memref<32x128xf32, #tpu.memory_space<hbm>>
      %dma_wait3A_510 = arith.constant 0 : i32
      %dma_wait3A_511 = arith.constant 0 : i32
      %dma_wait3A_512 = tpu.memref_slice %arg6[%dma_wait3A_502, %dma_wait3A_510, %dma_wait3A_511] : memref<16x32x128xf32, #tpu.memory_space<vmem>> -> memref<1x32x128xf32, #tpu.memory_space<vmem>>
      %dma_wait3A_513 = tpu.memref_squeeze %dma_wait3A_512 : memref<1x32x128xf32, #tpu.memory_space<vmem>> -> memref<32x128xf32, #tpu.memory_space<vmem>>
      %dma_wait3A_514 = arith.constant 0 : i32
      %dma_wait3A_515 = arith.constant 0 : i32
      %dma_wait3A_516 = tpu.memref_slice %arg2[%dma_wait3A_514, %dma_wait3A_515] : memref<32x1000000xf32, #tpu.memory_space<hbm>> -> memref<32x128xf32, #tpu.memory_space<hbm>>
      tpu.wait_dma2 semaphore(%arg8 : memref<!tpu.dma_semaphore, #tpu.memory_space<semaphore_mem>>) src(%dma_wait3A_516 : memref<32x128xf32, #tpu.memory_space<hbm>>) dst(%dma_wait3A_513 : memref<32x128xf32, #tpu.memory_space<vmem>>)
      %get3A_517 = arith.index_cast %add3A_501 : i32 to index
      %get3A_518 = tpu.vector_load %arg5[%get3A_517] {strides = array<i32>} : memref<528xi32, #tpu.memory_space<vmem>>, vector<16xi32>,
      %slice3A_519 = vector.extract_strided_slice %get3A_518 {offsets = [0], sizes = [1], strides = [1]} : vector<16xi32> to vector<1xi32>
      %squeeze3A_520 = vector.extract %slice3A_519[0] : i32 from vector<1xi32>
      %and3A_521 = arith.constant 127 : i32
      %and3A_522 = arith.andi %squeeze3A_520, %and3A_521 : i32
      %broadcast_in_dim3A_523 = vector.broadcast %and3A_522 : i32 to vector<16xi32>
      %broadcast_in_dim3A_524 = arith.constant 4 : i32
      %broadcast_in_dim3A_525 = vector.broadcast %broadcast_in_dim3A_524 : i32 to vector<16xi32>
      %broadcast_in_dim3A_526 = vector.broadcast %add3A_501 : i32 to vector<16xi32>
      %gather3A_527 = tpu.vector_load_idx %arg6[%broadcast_in_dim3A_525, %iota3A, %broadcast_in_dim3A_523] : memref<16x32x128xf32, #tpu.memory_space<vmem>>[vector<16xi32>, vector<16xi32>, vector<16xi32>], vector<16xf32>,
      %gather3A_528 = tpu.vector_load_idx %arg6[%broadcast_in_dim3A_525, %add3A_352, %broadcast_in_dim3A_523] : memref<16x32x128xf32, #tpu.memory_space<vmem>>[vector<16xi32>, vector<16xi32>, vector<16xi32>], vector<16xf32>,
      tpu.vector_store_idx %arg7[%iota3A, %broadcast_in_dim3A_526], %gather3A_527 : memref<32x512xf32, #tpu.memory_space<vmem>>[vector<16xi32>, vector<16xi32>], vector<16xf32>,
      tpu.vector_store_idx %arg7[%add3A_352, %broadcast_in_dim3A_526], %gather3A_528 : memref<32x512xf32, #tpu.memory_space<vmem>>[vector<16xi32>, vector<16xi32>], vector<16xf32>,
      %add3A_529 = arith.constant 16 : i32
      %add3A_530 = arith.addi %add3A_501, %add3A_529 : i32
      %lt3A_531 = arith.constant 512 : i32
      %lt3A_532 = arith.cmpi slt, %add3A_530, %lt3A_531 : i32
      %convert_element_type3A_533 = arith.extui %lt3A_532 : i1 to i32
      %cond3A_534 = arith.constant 0 : i32
      %cond3A_535 = arith.cmpi ne, %convert_element_type3A_533, %cond3A_534 : i32
      scf.if %cond3A_535 {
        %add3A_933 = arith.constant 16 : i32
        %add3A_934 = arith.addi %add3A_501, %add3A_933 : i32
        %get3A_935 = arith.index_cast %add3A_934 : i32 to index
        %get3A_936 = tpu.vector_load %arg5[%get3A_935] {strides = array<i32>} : memref<528xi32, #tpu.memory_space<vmem>>, vector<16xi32>,
        %slice3A_937 = vector.extract_strided_slice %get3A_936 {offsets = [0], sizes = [1], strides = [1]} : vector<16xi32> to vector<1xi32>
        %squeeze3A_938 = vector.extract %slice3A_937[0] : i32 from vector<1xi32>
        %shift_right_logical3A_939 = arith.constant 7 : i32
        %shift_right_logical3A_940 = arith.shrui %squeeze3A_938, %shift_right_logical3A_939 : i32
        %mul3A_941 = arith.constant 128 : i32
        %mul3A_942 = arith.muli %shift_right_logical3A_940, %mul3A_941 : i32
        %multiple_of3A_943 = tpu.assume_multiple %mul3A_942, 128 : i32
        %dma_start3A_944 = arith.constant 4 : i32
        %dma_start3A_945 = arith.constant 0 : i32
        %dma_start3A_946 = arith.constant 0 : i32
        %dma_start3A_947 = tpu.memref_slice %arg6[%dma_start3A_944, %dma_start3A_945, %dma_start3A_946] : memref<16x32x128xf32, #tpu.memory_space<vmem>> -> memref<1x32x128xf32, #tpu.memory_space<vmem>>
        %dma_start3A_948 = tpu.memref_squeeze %dma_start3A_947 : memref<1x32x128xf32, #tpu.memory_space<vmem>> -> memref<32x128xf32, #tpu.memory_space<vmem>>
        %dma_start3A_949 = arith.constant 0 : i32
        %dma_start3A_950 = tpu.memref_slice %arg2[%dma_start3A_949, %multiple_of3A_943] : memref<32x1000000xf32, #tpu.memory_space<hbm>> -> memref<32x128xf32, #tpu.memory_space<hbm>>
        %dma_start3A_951 = arith.constant 0 : i32
        %dma_start3A_952 = arith.constant 0 : i32
        %dma_start3A_953 = tpu.memref_slice %arg6[%dma_start3A_944, %dma_start3A_951, %dma_start3A_952] : memref<16x32x128xf32, #tpu.memory_space<vmem>> -> memref<1x32x128xf32, #tpu.memory_space<vmem>>
        %dma_start3A_954 = tpu.memref_squeeze %dma_start3A_953 : memref<1x32x128xf32, #tpu.memory_space<vmem>> -> memref<32x128xf32, #tpu.memory_space<vmem>>
        %dma_start3A_955 = arith.constant 0 : i32
        %dma_start3A_956 = tpu.memref_slice %arg2[%dma_start3A_955, %multiple_of3A_943] : memref<32x1000000xf32, #tpu.memory_space<hbm>> -> memref<32x128xf32, #tpu.memory_space<hbm>>
        tpu.enqueue_dma source(%dma_start3A_956 : memref<32x128xf32, #tpu.memory_space<hbm>>) target(%dma_start3A_954 : memref<32x128xf32, #tpu.memory_space<vmem>>) target_semaphore(%arg8 : memref<!tpu.dma_semaphore, #tpu.memory_space<semaphore_mem>>)
      } else {
      }
      %add3A_536 = arith.constant 5 : i32
      %add3A_537 = arith.addi %mul3A_362, %add3A_536 : i32
      %dma_wait3A_538 = arith.constant 5 : i32
      %dma_wait3A_539 = arith.constant 0 : i32
      %dma_wait3A_540 = arith.constant 0 : i32
      %dma_wait3A_541 = tpu.memref_slice %arg6[%dma_wait3A_538, %dma_wait3A_539, %dma_wait3A_540] : memref<16x32x128xf32, #tpu.memory_space<vmem>> -> memref<1x32x128xf32, #tpu.memory_space<vmem>>
      %dma_wait3A_542 = tpu.memref_squeeze %dma_wait3A_541 : memref<1x32x128xf32, #tpu.memory_space<vmem>> -> memref<32x128xf32, #tpu.memory_space<vmem>>
      %dma_wait3A_543 = arith.constant 0 : i32
      %dma_wait3A_544 = arith.constant 0 : i32
      %dma_wait3A_545 = tpu.memref_slice %arg2[%dma_wait3A_543, %dma_wait3A_544] : memref<32x1000000xf32, #tpu.memory_space<hbm>> -> memref<32x128xf32, #tpu.memory_space<hbm>>
      %dma_wait3A_546 = arith.constant 0 : i32
      %dma_wait3A_547 = arith.constant 0 : i32
      %dma_wait3A_548 = tpu.memref_slice %arg6[%dma_wait3A_538, %dma_wait3A_546, %dma_wait3A_547] : memref<16x32x128xf32, #tpu.memory_space<vmem>> -> memref<1x32x128xf32, #tpu.memory_space<vmem>>
      %dma_wait3A_549 = tpu.memref_squeeze %dma_wait3A_548 : memref<1x32x128xf32, #tpu.memory_space<vmem>> -> memref<32x128xf32, #tpu.memory_space<vmem>>
      %dma_wait3A_550 = arith.constant 0 : i32
      %dma_wait3A_551 = arith.constant 0 : i32
      %dma_wait3A_552 = tpu.memref_slice %arg2[%dma_wait3A_550, %dma_wait3A_551] : memref<32x1000000xf32, #tpu.memory_space<hbm>> -> memref<32x128xf32, #tpu.memory_space<hbm>>
      tpu.wait_dma2 semaphore(%arg8 : memref<!tpu.dma_semaphore, #tpu.memory_space<semaphore_mem>>) src(%dma_wait3A_552 : memref<32x128xf32, #tpu.memory_space<hbm>>) dst(%dma_wait3A_549 : memref<32x128xf32, #tpu.memory_space<vmem>>)
      %get3A_553 = arith.index_cast %add3A_537 : i32 to index
      %get3A_554 = tpu.vector_load %arg5[%get3A_553] {strides = array<i32>} : memref<528xi32, #tpu.memory_space<vmem>>, vector<16xi32>,
      %slice3A_555 = vector.extract_strided_slice %get3A_554 {offsets = [0], sizes = [1], strides = [1]} : vector<16xi32> to vector<1xi32>
      %squeeze3A_556 = vector.extract %slice3A_555[0] : i32 from vector<1xi32>
      %and3A_557 = arith.constant 127 : i32
      %and3A_558 = arith.andi %squeeze3A_556, %and3A_557 : i32
      %broadcast_in_dim3A_559 = vector.broadcast %and3A_558 : i32 to vector<16xi32>
      %broadcast_in_dim3A_560 = arith.constant 5 : i32
      %broadcast_in_dim3A_561 = vector.broadcast %broadcast_in_dim3A_560 : i32 to vector<16xi32>
      %broadcast_in_dim3A_562 = vector.broadcast %add3A_537 : i32 to vector<16xi32>
      %gather3A_563 = tpu.vector_load_idx %arg6[%broadcast_in_dim3A_561, %iota3A, %broadcast_in_dim3A_559] : memref<16x32x128xf32, #tpu.memory_space<vmem>>[vector<16xi32>, vector<16xi32>, vector<16xi32>], vector<16xf32>,
      %gather3A_564 = tpu.vector_load_idx %arg6[%broadcast_in_dim3A_561, %add3A_352, %broadcast_in_dim3A_559] : memref<16x32x128xf32, #tpu.memory_space<vmem>>[vector<16xi32>, vector<16xi32>, vector<16xi32>], vector<16xf32>,
      tpu.vector_store_idx %arg7[%iota3A, %broadcast_in_dim3A_562], %gather3A_563 : memref<32x512xf32, #tpu.memory_space<vmem>>[vector<16xi32>, vector<16xi32>], vector<16xf32>,
      tpu.vector_store_idx %arg7[%add3A_352, %broadcast_in_dim3A_562], %gather3A_564 : memref<32x512xf32, #tpu.memory_space<vmem>>[vector<16xi32>, vector<16xi32>], vector<16xf32>,
      %add3A_565 = arith.constant 16 : i32
      %add3A_566 = arith.addi %add3A_537, %add3A_565 : i32
      %lt3A_567 = arith.constant 512 : i32
      %lt3A_568 = arith.cmpi slt, %add3A_566, %lt3A_567 : i32
      %convert_element_type3A_569 = arith.extui %lt3A_568 : i1 to i32
      %cond3A_570 = arith.constant 0 : i32
      %cond3A_571 = arith.cmpi ne, %convert_element_type3A_569, %cond3A_570 : i32
      scf.if %cond3A_571 {
        %add3A_933 = arith.constant 16 : i32
        %add3A_934 = arith.addi %add3A_537, %add3A_933 : i32
        %get3A_935 = arith.index_cast %add3A_934 : i32 to index
        %get3A_936 = tpu.vector_load %arg5[%get3A_935] {strides = array<i32>} : memref<528xi32, #tpu.memory_space<vmem>>, vector<16xi32>,
        %slice3A_937 = vector.extract_strided_slice %get3A_936 {offsets = [0], sizes = [1], strides = [1]} : vector<16xi32> to vector<1xi32>
        %squeeze3A_938 = vector.extract %slice3A_937[0] : i32 from vector<1xi32>
        %shift_right_logical3A_939 = arith.constant 7 : i32
        %shift_right_logical3A_940 = arith.shrui %squeeze3A_938, %shift_right_logical3A_939 : i32
        %mul3A_941 = arith.constant 128 : i32
        %mul3A_942 = arith.muli %shift_right_logical3A_940, %mul3A_941 : i32
        %multiple_of3A_943 = tpu.assume_multiple %mul3A_942, 128 : i32
        %dma_start3A_944 = arith.constant 5 : i32
        %dma_start3A_945 = arith.constant 0 : i32
        %dma_start3A_946 = arith.constant 0 : i32
        %dma_start3A_947 = tpu.memref_slice %arg6[%dma_start3A_944, %dma_start3A_945, %dma_start3A_946] : memref<16x32x128xf32, #tpu.memory_space<vmem>> -> memref<1x32x128xf32, #tpu.memory_space<vmem>>
        %dma_start3A_948 = tpu.memref_squeeze %dma_start3A_947 : memref<1x32x128xf32, #tpu.memory_space<vmem>> -> memref<32x128xf32, #tpu.memory_space<vmem>>
        %dma_start3A_949 = arith.constant 0 : i32
        %dma_start3A_950 = tpu.memref_slice %arg2[%dma_start3A_949, %multiple_of3A_943] : memref<32x1000000xf32, #tpu.memory_space<hbm>> -> memref<32x128xf32, #tpu.memory_space<hbm>>
        %dma_start3A_951 = arith.constant 0 : i32
        %dma_start3A_952 = arith.constant 0 : i32
        %dma_start3A_953 = tpu.memref_slice %arg6[%dma_start3A_944, %dma_start3A_951, %dma_start3A_952] : memref<16x32x128xf32, #tpu.memory_space<vmem>> -> memref<1x32x128xf32, #tpu.memory_space<vmem>>
        %dma_start3A_954 = tpu.memref_squeeze %dma_start3A_953 : memref<1x32x128xf32, #tpu.memory_space<vmem>> -> memref<32x128xf32, #tpu.memory_space<vmem>>
        %dma_start3A_955 = arith.constant 0 : i32
        %dma_start3A_956 = tpu.memref_slice %arg2[%dma_start3A_955, %multiple_of3A_943] : memref<32x1000000xf32, #tpu.memory_space<hbm>> -> memref<32x128xf32, #tpu.memory_space<hbm>>
        tpu.enqueue_dma source(%dma_start3A_956 : memref<32x128xf32, #tpu.memory_space<hbm>>) target(%dma_start3A_954 : memref<32x128xf32, #tpu.memory_space<vmem>>) target_semaphore(%arg8 : memref<!tpu.dma_semaphore, #tpu.memory_space<semaphore_mem>>)
      } else {
      }
      %add3A_572 = arith.constant 6 : i32
      %add3A_573 = arith.addi %mul3A_362, %add3A_572 : i32
      %dma_wait3A_574 = arith.constant 6 : i32
      %dma_wait3A_575 = arith.constant 0 : i32
      %dma_wait3A_576 = arith.constant 0 : i32
      %dma_wait3A_577 = tpu.memref_slice %arg6[%dma_wait3A_574, %dma_wait3A_575, %dma_wait3A_576] : memref<16x32x128xf32, #tpu.memory_space<vmem>> -> memref<1x32x128xf32, #tpu.memory_space<vmem>>
      %dma_wait3A_578 = tpu.memref_squeeze %dma_wait3A_577 : memref<1x32x128xf32, #tpu.memory_space<vmem>> -> memref<32x128xf32, #tpu.memory_space<vmem>>
      %dma_wait3A_579 = arith.constant 0 : i32
      %dma_wait3A_580 = arith.constant 0 : i32
      %dma_wait3A_581 = tpu.memref_slice %arg2[%dma_wait3A_579, %dma_wait3A_580] : memref<32x1000000xf32, #tpu.memory_space<hbm>> -> memref<32x128xf32, #tpu.memory_space<hbm>>
      %dma_wait3A_582 = arith.constant 0 : i32
      %dma_wait3A_583 = arith.constant 0 : i32
      %dma_wait3A_584 = tpu.memref_slice %arg6[%dma_wait3A_574, %dma_wait3A_582, %dma_wait3A_583] : memref<16x32x128xf32, #tpu.memory_space<vmem>> -> memref<1x32x128xf32, #tpu.memory_space<vmem>>
      %dma_wait3A_585 = tpu.memref_squeeze %dma_wait3A_584 : memref<1x32x128xf32, #tpu.memory_space<vmem>> -> memref<32x128xf32, #tpu.memory_space<vmem>>
      %dma_wait3A_586 = arith.constant 0 : i32
      %dma_wait3A_587 = arith.constant 0 : i32
      %dma_wait3A_588 = tpu.memref_slice %arg2[%dma_wait3A_586, %dma_wait3A_587] : memref<32x1000000xf32, #tpu.memory_space<hbm>> -> memref<32x128xf32, #tpu.memory_space<hbm>>
      tpu.wait_dma2 semaphore(%arg8 : memref<!tpu.dma_semaphore, #tpu.memory_space<semaphore_mem>>) src(%dma_wait3A_588 : memref<32x128xf32, #tpu.memory_space<hbm>>) dst(%dma_wait3A_585 : memref<32x128xf32, #tpu.memory_space<vmem>>)
      %get3A_589 = arith.index_cast %add3A_573 : i32 to index
      %get3A_590 = tpu.vector_load %arg5[%get3A_589] {strides = array<i32>} : memref<528xi32, #tpu.memory_space<vmem>>, vector<16xi32>,
      %slice3A_591 = vector.extract_strided_slice %get3A_590 {offsets = [0], sizes = [1], strides = [1]} : vector<16xi32> to vector<1xi32>
      %squeeze3A_592 = vector.extract %slice3A_591[0] : i32 from vector<1xi32>
      %and3A_593 = arith.constant 127 : i32
      %and3A_594 = arith.andi %squeeze3A_592, %and3A_593 : i32
      %broadcast_in_dim3A_595 = vector.broadcast %and3A_594 : i32 to vector<16xi32>
      %broadcast_in_dim3A_596 = arith.constant 6 : i32
      %broadcast_in_dim3A_597 = vector.broadcast %broadcast_in_dim3A_596 : i32 to vector<16xi32>
      %broadcast_in_dim3A_598 = vector.broadcast %add3A_573 : i32 to vector<16xi32>
      %gather3A_599 = tpu.vector_load_idx %arg6[%broadcast_in_dim3A_597, %iota3A, %broadcast_in_dim3A_595] : memref<16x32x128xf32, #tpu.memory_space<vmem>>[vector<16xi32>, vector<16xi32>, vector<16xi32>], vector<16xf32>,
      %gather3A_600 = tpu.vector_load_idx %arg6[%broadcast_in_dim3A_597, %add3A_352, %broadcast_in_dim3A_595] : memref<16x32x128xf32, #tpu.memory_space<vmem>>[vector<16xi32>, vector<16xi32>, vector<16xi32>], vector<16xf32>,
      tpu.vector_store_idx %arg7[%iota3A, %broadcast_in_dim3A_598], %gather3A_599 : memref<32x512xf32, #tpu.memory_space<vmem>>[vector<16xi32>, vector<16xi32>], vector<16xf32>,
      tpu.vector_store_idx %arg7[%add3A_352, %broadcast_in_dim3A_598], %gather3A_600 : memref<32x512xf32, #tpu.memory_space<vmem>>[vector<16xi32>, vector<16xi32>], vector<16xf32>,
      %add3A_601 = arith.constant 16 : i32
      %add3A_602 = arith.addi %add3A_573, %add3A_601 : i32
      %lt3A_603 = arith.constant 512 : i32
      %lt3A_604 = arith.cmpi slt, %add3A_602, %lt3A_603 : i32
      %convert_element_type3A_605 = arith.extui %lt3A_604 : i1 to i32
      %cond3A_606 = arith.constant 0 : i32
      %cond3A_607 = arith.cmpi ne, %convert_element_type3A_605, %cond3A_606 : i32
      scf.if %cond3A_607 {
        %add3A_933 = arith.constant 16 : i32
        %add3A_934 = arith.addi %add3A_573, %add3A_933 : i32
        %get3A_935 = arith.index_cast %add3A_934 : i32 to index
        %get3A_936 = tpu.vector_load %arg5[%get3A_935] {strides = array<i32>} : memref<528xi32, #tpu.memory_space<vmem>>, vector<16xi32>,
        %slice3A_937 = vector.extract_strided_slice %get3A_936 {offsets = [0], sizes = [1], strides = [1]} : vector<16xi32> to vector<1xi32>
        %squeeze3A_938 = vector.extract %slice3A_937[0] : i32 from vector<1xi32>
        %shift_right_logical3A_939 = arith.constant 7 : i32
        %shift_right_logical3A_940 = arith.shrui %squeeze3A_938, %shift_right_logical3A_939 : i32
        %mul3A_941 = arith.constant 128 : i32
        %mul3A_942 = arith.muli %shift_right_logical3A_940, %mul3A_941 : i32
        %multiple_of3A_943 = tpu.assume_multiple %mul3A_942, 128 : i32
        %dma_start3A_944 = arith.constant 6 : i32
        %dma_start3A_945 = arith.constant 0 : i32
        %dma_start3A_946 = arith.constant 0 : i32
        %dma_start3A_947 = tpu.memref_slice %arg6[%dma_start3A_944, %dma_start3A_945, %dma_start3A_946] : memref<16x32x128xf32, #tpu.memory_space<vmem>> -> memref<1x32x128xf32, #tpu.memory_space<vmem>>
        %dma_start3A_948 = tpu.memref_squeeze %dma_start3A_947 : memref<1x32x128xf32, #tpu.memory_space<vmem>> -> memref<32x128xf32, #tpu.memory_space<vmem>>
        %dma_start3A_949 = arith.constant 0 : i32
        %dma_start3A_950 = tpu.memref_slice %arg2[%dma_start3A_949, %multiple_of3A_943] : memref<32x1000000xf32, #tpu.memory_space<hbm>> -> memref<32x128xf32, #tpu.memory_space<hbm>>
        %dma_start3A_951 = arith.constant 0 : i32
        %dma_start3A_952 = arith.constant 0 : i32
        %dma_start3A_953 = tpu.memref_slice %arg6[%dma_start3A_944, %dma_start3A_951, %dma_start3A_952] : memref<16x32x128xf32, #tpu.memory_space<vmem>> -> memref<1x32x128xf32, #tpu.memory_space<vmem>>
        %dma_start3A_954 = tpu.memref_squeeze %dma_start3A_953 : memref<1x32x128xf32, #tpu.memory_space<vmem>> -> memref<32x128xf32, #tpu.memory_space<vmem>>
        %dma_start3A_955 = arith.constant 0 : i32
        %dma_start3A_956 = tpu.memref_slice %arg2[%dma_start3A_955, %multiple_of3A_943] : memref<32x1000000xf32, #tpu.memory_space<hbm>> -> memref<32x128xf32, #tpu.memory_space<hbm>>
        tpu.enqueue_dma source(%dma_start3A_956 : memref<32x128xf32, #tpu.memory_space<hbm>>) target(%dma_start3A_954 : memref<32x128xf32, #tpu.memory_space<vmem>>) target_semaphore(%arg8 : memref<!tpu.dma_semaphore, #tpu.memory_space<semaphore_mem>>)
      } else {
      }
      %add3A_608 = arith.constant 7 : i32
      %add3A_609 = arith.addi %mul3A_362, %add3A_608 : i32
      %dma_wait3A_610 = arith.constant 7 : i32
      %dma_wait3A_611 = arith.constant 0 : i32
      %dma_wait3A_612 = arith.constant 0 : i32
      %dma_wait3A_613 = tpu.memref_slice %arg6[%dma_wait3A_610, %dma_wait3A_611, %dma_wait3A_612] : memref<16x32x128xf32, #tpu.memory_space<vmem>> -> memref<1x32x128xf32, #tpu.memory_space<vmem>>
      %dma_wait3A_614 = tpu.memref_squeeze %dma_wait3A_613 : memref<1x32x128xf32, #tpu.memory_space<vmem>> -> memref<32x128xf32, #tpu.memory_space<vmem>>
      %dma_wait3A_615 = arith.constant 0 : i32
      %dma_wait3A_616 = arith.constant 0 : i32
      %dma_wait3A_617 = tpu.memref_slice %arg2[%dma_wait3A_615, %dma_wait3A_616] : memref<32x1000000xf32, #tpu.memory_space<hbm>> -> memref<32x128xf32, #tpu.memory_space<hbm>>
      %dma_wait3A_618 = arith.constant 0 : i32
      %dma_wait3A_619 = arith.constant 0 : i32
      %dma_wait3A_620 = tpu.memref_slice %arg6[%dma_wait3A_610, %dma_wait3A_618, %dma_wait3A_619] : memref<16x32x128xf32, #tpu.memory_space<vmem>> -> memref<1x32x128xf32, #tpu.memory_space<vmem>>
      %dma_wait3A_621 = tpu.memref_squeeze %dma_wait3A_620 : memref<1x32x128xf32, #tpu.memory_space<vmem>> -> memref<32x128xf32, #tpu.memory_space<vmem>>
      %dma_wait3A_622 = arith.constant 0 : i32
      %dma_wait3A_623 = arith.constant 0 : i32
      %dma_wait3A_624 = tpu.memref_slice %arg2[%dma_wait3A_622, %dma_wait3A_623] : memref<32x1000000xf32, #tpu.memory_space<hbm>> -> memref<32x128xf32, #tpu.memory_space<hbm>>
      tpu.wait_dma2 semaphore(%arg8 : memref<!tpu.dma_semaphore, #tpu.memory_space<semaphore_mem>>) src(%dma_wait3A_624 : memref<32x128xf32, #tpu.memory_space<hbm>>) dst(%dma_wait3A_621 : memref<32x128xf32, #tpu.memory_space<vmem>>)
      %get3A_625 = arith.index_cast %add3A_609 : i32 to index
      %get3A_626 = tpu.vector_load %arg5[%get3A_625] {strides = array<i32>} : memref<528xi32, #tpu.memory_space<vmem>>, vector<16xi32>,
      %slice3A_627 = vector.extract_strided_slice %get3A_626 {offsets = [0], sizes = [1], strides = [1]} : vector<16xi32> to vector<1xi32>
      %squeeze3A_628 = vector.extract %slice3A_627[0] : i32 from vector<1xi32>
      %and3A_629 = arith.constant 127 : i32
      %and3A_630 = arith.andi %squeeze3A_628, %and3A_629 : i32
      %broadcast_in_dim3A_631 = vector.broadcast %and3A_630 : i32 to vector<16xi32>
      %broadcast_in_dim3A_632 = arith.constant 7 : i32
      %broadcast_in_dim3A_633 = vector.broadcast %broadcast_in_dim3A_632 : i32 to vector<16xi32>
      %broadcast_in_dim3A_634 = vector.broadcast %add3A_609 : i32 to vector<16xi32>
      %gather3A_635 = tpu.vector_load_idx %arg6[%broadcast_in_dim3A_633, %iota3A, %broadcast_in_dim3A_631] : memref<16x32x128xf32, #tpu.memory_space<vmem>>[vector<16xi32>, vector<16xi32>, vector<16xi32>], vector<16xf32>,
      %gather3A_636 = tpu.vector_load_idx %arg6[%broadcast_in_dim3A_633, %add3A_352, %broadcast_in_dim3A_631] : memref<16x32x128xf32, #tpu.memory_space<vmem>>[vector<16xi32>, vector<16xi32>, vector<16xi32>], vector<16xf32>,
      tpu.vector_store_idx %arg7[%iota3A, %broadcast_in_dim3A_634], %gather3A_635 : memref<32x512xf32, #tpu.memory_space<vmem>>[vector<16xi32>, vector<16xi32>], vector<16xf32>,
      tpu.vector_store_idx %arg7[%add3A_352, %broadcast_in_dim3A_634], %gather3A_636 : memref<32x512xf32, #tpu.memory_space<vmem>>[vector<16xi32>, vector<16xi32>], vector<16xf32>,
      %add3A_637 = arith.constant 16 : i32
      %add3A_638 = arith.addi %add3A_609, %add3A_637 : i32
      %lt3A_639 = arith.constant 512 : i32
      %lt3A_640 = arith.cmpi slt, %add3A_638, %lt3A_639 : i32
      %convert_element_type3A_641 = arith.extui %lt3A_640 : i1 to i32
      %cond3A_642 = arith.constant 0 : i32
      %cond3A_643 = arith.cmpi ne, %convert_element_type3A_641, %cond3A_642 : i32
      scf.if %cond3A_643 {
        %add3A_933 = arith.constant 16 : i32
        %add3A_934 = arith.addi %add3A_609, %add3A_933 : i32
        %get3A_935 = arith.index_cast %add3A_934 : i32 to index
        %get3A_936 = tpu.vector_load %arg5[%get3A_935] {strides = array<i32>} : memref<528xi32, #tpu.memory_space<vmem>>, vector<16xi32>,
        %slice3A_937 = vector.extract_strided_slice %get3A_936 {offsets = [0], sizes = [1], strides = [1]} : vector<16xi32> to vector<1xi32>
        %squeeze3A_938 = vector.extract %slice3A_937[0] : i32 from vector<1xi32>
        %shift_right_logical3A_939 = arith.constant 7 : i32
        %shift_right_logical3A_940 = arith.shrui %squeeze3A_938, %shift_right_logical3A_939 : i32
        %mul3A_941 = arith.constant 128 : i32
        %mul3A_942 = arith.muli %shift_right_logical3A_940, %mul3A_941 : i32
        %multiple_of3A_943 = tpu.assume_multiple %mul3A_942, 128 : i32
        %dma_start3A_944 = arith.constant 7 : i32
        %dma_start3A_945 = arith.constant 0 : i32
        %dma_start3A_946 = arith.constant 0 : i32
        %dma_start3A_947 = tpu.memref_slice %arg6[%dma_start3A_944, %dma_start3A_945, %dma_start3A_946] : memref<16x32x128xf32, #tpu.memory_space<vmem>> -> memref<1x32x128xf32, #tpu.memory_space<vmem>>
        %dma_start3A_948 = tpu.memref_squeeze %dma_start3A_947 : memref<1x32x128xf32, #tpu.memory_space<vmem>> -> memref<32x128xf32, #tpu.memory_space<vmem>>
        %dma_start3A_949 = arith.constant 0 : i32
        %dma_start3A_950 = tpu.memref_slice %arg2[%dma_start3A_949, %multiple_of3A_943] : memref<32x1000000xf32, #tpu.memory_space<hbm>> -> memref<32x128xf32, #tpu.memory_space<hbm>>
        %dma_start3A_951 = arith.constant 0 : i32
        %dma_start3A_952 = arith.constant 0 : i32
        %dma_start3A_953 = tpu.memref_slice %arg6[%dma_start3A_944, %dma_start3A_951, %dma_start3A_952] : memref<16x32x128xf32, #tpu.memory_space<vmem>> -> memref<1x32x128xf32, #tpu.memory_space<vmem>>
        %dma_start3A_954 = tpu.memref_squeeze %dma_start3A_953 : memref<1x32x128xf32, #tpu.memory_space<vmem>> -> memref<32x128xf32, #tpu.memory_space<vmem>>
        %dma_start3A_955 = arith.constant 0 : i32
        %dma_start3A_956 = tpu.memref_slice %arg2[%dma_start3A_955, %multiple_of3A_943] : memref<32x1000000xf32, #tpu.memory_space<hbm>> -> memref<32x128xf32, #tpu.memory_space<hbm>>
        tpu.enqueue_dma source(%dma_start3A_956 : memref<32x128xf32, #tpu.memory_space<hbm>>) target(%dma_start3A_954 : memref<32x128xf32, #tpu.memory_space<vmem>>) target_semaphore(%arg8 : memref<!tpu.dma_semaphore, #tpu.memory_space<semaphore_mem>>)
      } else {
      }
      %add3A_644 = arith.constant 8 : i32
      %add3A_645 = arith.addi %mul3A_362, %add3A_644 : i32
      %dma_wait3A_646 = arith.constant 8 : i32
      %dma_wait3A_647 = arith.constant 0 : i32
      %dma_wait3A_648 = arith.constant 0 : i32
      %dma_wait3A_649 = tpu.memref_slice %arg6[%dma_wait3A_646, %dma_wait3A_647, %dma_wait3A_648] : memref<16x32x128xf32, #tpu.memory_space<vmem>> -> memref<1x32x128xf32, #tpu.memory_space<vmem>>
      %dma_wait3A_650 = tpu.memref_squeeze %dma_wait3A_649 : memref<1x32x128xf32, #tpu.memory_space<vmem>> -> memref<32x128xf32, #tpu.memory_space<vmem>>
      %dma_wait3A_651 = arith.constant 0 : i32
      %dma_wait3A_652 = arith.constant 0 : i32
      %dma_wait3A_653 = tpu.memref_slice %arg2[%dma_wait3A_651, %dma_wait3A_652] : memref<32x1000000xf32, #tpu.memory_space<hbm>> -> memref<32x128xf32, #tpu.memory_space<hbm>>
      %dma_wait3A_654 = arith.constant 0 : i32
      %dma_wait3A_655 = arith.constant 0 : i32
      %dma_wait3A_656 = tpu.memref_slice %arg6[%dma_wait3A_646, %dma_wait3A_654, %dma_wait3A_655] : memref<16x32x128xf32, #tpu.memory_space<vmem>> -> memref<1x32x128xf32, #tpu.memory_space<vmem>>
      %dma_wait3A_657 = tpu.memref_squeeze %dma_wait3A_656 : memref<1x32x128xf32, #tpu.memory_space<vmem>> -> memref<32x128xf32, #tpu.memory_space<vmem>>
      %dma_wait3A_658 = arith.constant 0 : i32
      %dma_wait3A_659 = arith.constant 0 : i32
      %dma_wait3A_660 = tpu.memref_slice %arg2[%dma_wait3A_658, %dma_wait3A_659] : memref<32x1000000xf32, #tpu.memory_space<hbm>> -> memref<32x128xf32, #tpu.memory_space<hbm>>
      tpu.wait_dma2 semaphore(%arg8 : memref<!tpu.dma_semaphore, #tpu.memory_space<semaphore_mem>>) src(%dma_wait3A_660 : memref<32x128xf32, #tpu.memory_space<hbm>>) dst(%dma_wait3A_657 : memref<32x128xf32, #tpu.memory_space<vmem>>)
      %get3A_661 = arith.index_cast %add3A_645 : i32 to index
      %get3A_662 = tpu.vector_load %arg5[%get3A_661] {strides = array<i32>} : memref<528xi32, #tpu.memory_space<vmem>>, vector<16xi32>,
      %slice3A_663 = vector.extract_strided_slice %get3A_662 {offsets = [0], sizes = [1], strides = [1]} : vector<16xi32> to vector<1xi32>
      %squeeze3A_664 = vector.extract %slice3A_663[0] : i32 from vector<1xi32>
      %and3A_665 = arith.constant 127 : i32
      %and3A_666 = arith.andi %squeeze3A_664, %and3A_665 : i32
      %broadcast_in_dim3A_667 = vector.broadcast %and3A_666 : i32 to vector<16xi32>
      %broadcast_in_dim3A_668 = arith.constant 8 : i32
      %broadcast_in_dim3A_669 = vector.broadcast %broadcast_in_dim3A_668 : i32 to vector<16xi32>
      %broadcast_in_dim3A_670 = vector.broadcast %add3A_645 : i32 to vector<16xi32>
      %gather3A_671 = tpu.vector_load_idx %arg6[%broadcast_in_dim3A_669, %iota3A, %broadcast_in_dim3A_667] : memref<16x32x128xf32, #tpu.memory_space<vmem>>[vector<16xi32>, vector<16xi32>, vector<16xi32>], vector<16xf32>,
      %gather3A_672 = tpu.vector_load_idx %arg6[%broadcast_in_dim3A_669, %add3A_352, %broadcast_in_dim3A_667] : memref<16x32x128xf32, #tpu.memory_space<vmem>>[vector<16xi32>, vector<16xi32>, vector<16xi32>], vector<16xf32>,
      tpu.vector_store_idx %arg7[%iota3A, %broadcast_in_dim3A_670], %gather3A_671 : memref<32x512xf32, #tpu.memory_space<vmem>>[vector<16xi32>, vector<16xi32>], vector<16xf32>,
      tpu.vector_store_idx %arg7[%add3A_352, %broadcast_in_dim3A_670], %gather3A_672 : memref<32x512xf32, #tpu.memory_space<vmem>>[vector<16xi32>, vector<16xi32>], vector<16xf32>,
      %add3A_673 = arith.constant 16 : i32
      %add3A_674 = arith.addi %add3A_645, %add3A_673 : i32
      %lt3A_675 = arith.constant 512 : i32
      %lt3A_676 = arith.cmpi slt, %add3A_674, %lt3A_675 : i32
      %convert_element_type3A_677 = arith.extui %lt3A_676 : i1 to i32
      %cond3A_678 = arith.constant 0 : i32
      %cond3A_679 = arith.cmpi ne, %convert_element_type3A_677, %cond3A_678 : i32
      scf.if %cond3A_679 {
        %add3A_933 = arith.constant 16 : i32
        %add3A_934 = arith.addi %add3A_645, %add3A_933 : i32
        %get3A_935 = arith.index_cast %add3A_934 : i32 to index
        %get3A_936 = tpu.vector_load %arg5[%get3A_935] {strides = array<i32>} : memref<528xi32, #tpu.memory_space<vmem>>, vector<16xi32>,
        %slice3A_937 = vector.extract_strided_slice %get3A_936 {offsets = [0], sizes = [1], strides = [1]} : vector<16xi32> to vector<1xi32>
        %squeeze3A_938 = vector.extract %slice3A_937[0] : i32 from vector<1xi32>
        %shift_right_logical3A_939 = arith.constant 7 : i32
        %shift_right_logical3A_940 = arith.shrui %squeeze3A_938, %shift_right_logical3A_939 : i32
        %mul3A_941 = arith.constant 128 : i32
        %mul3A_942 = arith.muli %shift_right_logical3A_940, %mul3A_941 : i32
        %multiple_of3A_943 = tpu.assume_multiple %mul3A_942, 128 : i32
        %dma_start3A_944 = arith.constant 8 : i32
        %dma_start3A_945 = arith.constant 0 : i32
        %dma_start3A_946 = arith.constant 0 : i32
        %dma_start3A_947 = tpu.memref_slice %arg6[%dma_start3A_944, %dma_start3A_945, %dma_start3A_946] : memref<16x32x128xf32, #tpu.memory_space<vmem>> -> memref<1x32x128xf32, #tpu.memory_space<vmem>>
        %dma_start3A_948 = tpu.memref_squeeze %dma_start3A_947 : memref<1x32x128xf32, #tpu.memory_space<vmem>> -> memref<32x128xf32, #tpu.memory_space<vmem>>
        %dma_start3A_949 = arith.constant 0 : i32
        %dma_start3A_950 = tpu.memref_slice %arg2[%dma_start3A_949, %multiple_of3A_943] : memref<32x1000000xf32, #tpu.memory_space<hbm>> -> memref<32x128xf32, #tpu.memory_space<hbm>>
        %dma_start3A_951 = arith.constant 0 : i32
        %dma_start3A_952 = arith.constant 0 : i32
        %dma_start3A_953 = tpu.memref_slice %arg6[%dma_start3A_944, %dma_start3A_951, %dma_start3A_952] : memref<16x32x128xf32, #tpu.memory_space<vmem>> -> memref<1x32x128xf32, #tpu.memory_space<vmem>>
        %dma_start3A_954 = tpu.memref_squeeze %dma_start3A_953 : memref<1x32x128xf32, #tpu.memory_space<vmem>> -> memref<32x128xf32, #tpu.memory_space<vmem>>
        %dma_start3A_955 = arith.constant 0 : i32
        %dma_start3A_956 = tpu.memref_slice %arg2[%dma_start3A_955, %multiple_of3A_943] : memref<32x1000000xf32, #tpu.memory_space<hbm>> -> memref<32x128xf32, #tpu.memory_space<hbm>>
        tpu.enqueue_dma source(%dma_start3A_956 : memref<32x128xf32, #tpu.memory_space<hbm>>) target(%dma_start3A_954 : memref<32x128xf32, #tpu.memory_space<vmem>>) target_semaphore(%arg8 : memref<!tpu.dma_semaphore, #tpu.memory_space<semaphore_mem>>)
      } else {
      }
      %add3A_680 = arith.constant 9 : i32
      %add3A_681 = arith.addi %mul3A_362, %add3A_680 : i32
      %dma_wait3A_682 = arith.constant 9 : i32
      %dma_wait3A_683 = arith.constant 0 : i32
      %dma_wait3A_684 = arith.constant 0 : i32
      %dma_wait3A_685 = tpu.memref_slice %arg6[%dma_wait3A_682, %dma_wait3A_683, %dma_wait3A_684] : memref<16x32x128xf32, #tpu.memory_space<vmem>> -> memref<1x32x128xf32, #tpu.memory_space<vmem>>
      %dma_wait3A_686 = tpu.memref_squeeze %dma_wait3A_685 : memref<1x32x128xf32, #tpu.memory_space<vmem>> -> memref<32x128xf32, #tpu.memory_space<vmem>>
      %dma_wait3A_687 = arith.constant 0 : i32
      %dma_wait3A_688 = arith.constant 0 : i32
      %dma_wait3A_689 = tpu.memref_slice %arg2[%dma_wait3A_687, %dma_wait3A_688] : memref<32x1000000xf32, #tpu.memory_space<hbm>> -> memref<32x128xf32, #tpu.memory_space<hbm>>
      %dma_wait3A_690 = arith.constant 0 : i32
      %dma_wait3A_691 = arith.constant 0 : i32
      %dma_wait3A_692 = tpu.memref_slice %arg6[%dma_wait3A_682, %dma_wait3A_690, %dma_wait3A_691] : memref<16x32x128xf32, #tpu.memory_space<vmem>> -> memref<1x32x128xf32, #tpu.memory_space<vmem>>
      %dma_wait3A_693 = tpu.memref_squeeze %dma_wait3A_692 : memref<1x32x128xf32, #tpu.memory_space<vmem>> -> memref<32x128xf32, #tpu.memory_space<vmem>>
      %dma_wait3A_694 = arith.constant 0 : i32
      %dma_wait3A_695 = arith.constant 0 : i32
      %dma_wait3A_696 = tpu.memref_slice %arg2[%dma_wait3A_694, %dma_wait3A_695] : memref<32x1000000xf32, #tpu.memory_space<hbm>> -> memref<32x128xf32, #tpu.memory_space<hbm>>
      tpu.wait_dma2 semaphore(%arg8 : memref<!tpu.dma_semaphore, #tpu.memory_space<semaphore_mem>>) src(%dma_wait3A_696 : memref<32x128xf32, #tpu.memory_space<hbm>>) dst(%dma_wait3A_693 : memref<32x128xf32, #tpu.memory_space<vmem>>)
      %get3A_697 = arith.index_cast %add3A_681 : i32 to index
      %get3A_698 = tpu.vector_load %arg5[%get3A_697] {strides = array<i32>} : memref<528xi32, #tpu.memory_space<vmem>>, vector<16xi32>,
      %slice3A_699 = vector.extract_strided_slice %get3A_698 {offsets = [0], sizes = [1], strides = [1]} : vector<16xi32> to vector<1xi32>
      %squeeze3A_700 = vector.extract %slice3A_699[0] : i32 from vector<1xi32>
      %and3A_701 = arith.constant 127 : i32
      %and3A_702 = arith.andi %squeeze3A_700, %and3A_701 : i32
      %broadcast_in_dim3A_703 = vector.broadcast %and3A_702 : i32 to vector<16xi32>
      %broadcast_in_dim3A_704 = arith.constant 9 : i32
      %broadcast_in_dim3A_705 = vector.broadcast %broadcast_in_dim3A_704 : i32 to vector<16xi32>
      %broadcast_in_dim3A_706 = vector.broadcast %add3A_681 : i32 to vector<16xi32>
      %gather3A_707 = tpu.vector_load_idx %arg6[%broadcast_in_dim3A_705, %iota3A, %broadcast_in_dim3A_703] : memref<16x32x128xf32, #tpu.memory_space<vmem>>[vector<16xi32>, vector<16xi32>, vector<16xi32>], vector<16xf32>,
      %gather3A_708 = tpu.vector_load_idx %arg6[%broadcast_in_dim3A_705, %add3A_352, %broadcast_in_dim3A_703] : memref<16x32x128xf32, #tpu.memory_space<vmem>>[vector<16xi32>, vector<16xi32>, vector<16xi32>], vector<16xf32>,
      tpu.vector_store_idx %arg7[%iota3A, %broadcast_in_dim3A_706], %gather3A_707 : memref<32x512xf32, #tpu.memory_space<vmem>>[vector<16xi32>, vector<16xi32>], vector<16xf32>,
      tpu.vector_store_idx %arg7[%add3A_352, %broadcast_in_dim3A_706], %gather3A_708 : memref<32x512xf32, #tpu.memory_space<vmem>>[vector<16xi32>, vector<16xi32>], vector<16xf32>,
      %add3A_709 = arith.constant 16 : i32
      %add3A_710 = arith.addi %add3A_681, %add3A_709 : i32
      %lt3A_711 = arith.constant 512 : i32
      %lt3A_712 = arith.cmpi slt, %add3A_710, %lt3A_711 : i32
      %convert_element_type3A_713 = arith.extui %lt3A_712 : i1 to i32
      %cond3A_714 = arith.constant 0 : i32
      %cond3A_715 = arith.cmpi ne, %convert_element_type3A_713, %cond3A_714 : i32
      scf.if %cond3A_715 {
        %add3A_933 = arith.constant 16 : i32
        %add3A_934 = arith.addi %add3A_681, %add3A_933 : i32
        %get3A_935 = arith.index_cast %add3A_934 : i32 to index
        %get3A_936 = tpu.vector_load %arg5[%get3A_935] {strides = array<i32>} : memref<528xi32, #tpu.memory_space<vmem>>, vector<16xi32>,
        %slice3A_937 = vector.extract_strided_slice %get3A_936 {offsets = [0], sizes = [1], strides = [1]} : vector<16xi32> to vector<1xi32>
        %squeeze3A_938 = vector.extract %slice3A_937[0] : i32 from vector<1xi32>
        %shift_right_logical3A_939 = arith.constant 7 : i32
        %shift_right_logical3A_940 = arith.shrui %squeeze3A_938, %shift_right_logical3A_939 : i32
        %mul3A_941 = arith.constant 128 : i32
        %mul3A_942 = arith.muli %shift_right_logical3A_940, %mul3A_941 : i32
        %multiple_of3A_943 = tpu.assume_multiple %mul3A_942, 128 : i32
        %dma_start3A_944 = arith.constant 9 : i32
        %dma_start3A_945 = arith.constant 0 : i32
        %dma_start3A_946 = arith.constant 0 : i32
        %dma_start3A_947 = tpu.memref_slice %arg6[%dma_start3A_944, %dma_start3A_945, %dma_start3A_946] : memref<16x32x128xf32, #tpu.memory_space<vmem>> -> memref<1x32x128xf32, #tpu.memory_space<vmem>>
        %dma_start3A_948 = tpu.memref_squeeze %dma_start3A_947 : memref<1x32x128xf32, #tpu.memory_space<vmem>> -> memref<32x128xf32, #tpu.memory_space<vmem>>
        %dma_start3A_949 = arith.constant 0 : i32
        %dma_start3A_950 = tpu.memref_slice %arg2[%dma_start3A_949, %multiple_of3A_943] : memref<32x1000000xf32, #tpu.memory_space<hbm>> -> memref<32x128xf32, #tpu.memory_space<hbm>>
        %dma_start3A_951 = arith.constant 0 : i32
        %dma_start3A_952 = arith.constant 0 : i32
        %dma_start3A_953 = tpu.memref_slice %arg6[%dma_start3A_944, %dma_start3A_951, %dma_start3A_952] : memref<16x32x128xf32, #tpu.memory_space<vmem>> -> memref<1x32x128xf32, #tpu.memory_space<vmem>>
        %dma_start3A_954 = tpu.memref_squeeze %dma_start3A_953 : memref<1x32x128xf32, #tpu.memory_space<vmem>> -> memref<32x128xf32, #tpu.memory_space<vmem>>
        %dma_start3A_955 = arith.constant 0 : i32
        %dma_start3A_956 = tpu.memref_slice %arg2[%dma_start3A_955, %multiple_of3A_943] : memref<32x1000000xf32, #tpu.memory_space<hbm>> -> memref<32x128xf32, #tpu.memory_space<hbm>>
        tpu.enqueue_dma source(%dma_start3A_956 : memref<32x128xf32, #tpu.memory_space<hbm>>) target(%dma_start3A_954 : memref<32x128xf32, #tpu.memory_space<vmem>>) target_semaphore(%arg8 : memref<!tpu.dma_semaphore, #tpu.memory_space<semaphore_mem>>)
      } else {
      }
      %add3A_716 = arith.constant 10 : i32
      %add3A_717 = arith.addi %mul3A_362, %add3A_716 : i32
      %dma_wait3A_718 = arith.constant 10 : i32
      %dma_wait3A_719 = arith.constant 0 : i32
      %dma_wait3A_720 = arith.constant 0 : i32
      %dma_wait3A_721 = tpu.memref_slice %arg6[%dma_wait3A_718, %dma_wait3A_719, %dma_wait3A_720] : memref<16x32x128xf32, #tpu.memory_space<vmem>> -> memref<1x32x128xf32, #tpu.memory_space<vmem>>
      %dma_wait3A_722 = tpu.memref_squeeze %dma_wait3A_721 : memref<1x32x128xf32, #tpu.memory_space<vmem>> -> memref<32x128xf32, #tpu.memory_space<vmem>>
      %dma_wait3A_723 = arith.constant 0 : i32
      %dma_wait3A_724 = arith.constant 0 : i32
      %dma_wait3A_725 = tpu.memref_slice %arg2[%dma_wait3A_723, %dma_wait3A_724] : memref<32x1000000xf32, #tpu.memory_space<hbm>> -> memref<32x128xf32, #tpu.memory_space<hbm>>
      %dma_wait3A_726 = arith.constant 0 : i32
      %dma_wait3A_727 = arith.constant 0 : i32
      %dma_wait3A_728 = tpu.memref_slice %arg6[%dma_wait3A_718, %dma_wait3A_726, %dma_wait3A_727] : memref<16x32x128xf32, #tpu.memory_space<vmem>> -> memref<1x32x128xf32, #tpu.memory_space<vmem>>
      %dma_wait3A_729 = tpu.memref_squeeze %dma_wait3A_728 : memref<1x32x128xf32, #tpu.memory_space<vmem>> -> memref<32x128xf32, #tpu.memory_space<vmem>>
      %dma_wait3A_730 = arith.constant 0 : i32
      %dma_wait3A_731 = arith.constant 0 : i32
      %dma_wait3A_732 = tpu.memref_slice %arg2[%dma_wait3A_730, %dma_wait3A_731] : memref<32x1000000xf32, #tpu.memory_space<hbm>> -> memref<32x128xf32, #tpu.memory_space<hbm>>
      tpu.wait_dma2 semaphore(%arg8 : memref<!tpu.dma_semaphore, #tpu.memory_space<semaphore_mem>>) src(%dma_wait3A_732 : memref<32x128xf32, #tpu.memory_space<hbm>>) dst(%dma_wait3A_729 : memref<32x128xf32, #tpu.memory_space<vmem>>)
      %get3A_733 = arith.index_cast %add3A_717 : i32 to index
      %get3A_734 = tpu.vector_load %arg5[%get3A_733] {strides = array<i32>} : memref<528xi32, #tpu.memory_space<vmem>>, vector<16xi32>,
      %slice3A_735 = vector.extract_strided_slice %get3A_734 {offsets = [0], sizes = [1], strides = [1]} : vector<16xi32> to vector<1xi32>
      %squeeze3A_736 = vector.extract %slice3A_735[0] : i32 from vector<1xi32>
      %and3A_737 = arith.constant 127 : i32
      %and3A_738 = arith.andi %squeeze3A_736, %and3A_737 : i32
      %broadcast_in_dim3A_739 = vector.broadcast %and3A_738 : i32 to vector<16xi32>
      %broadcast_in_dim3A_740 = arith.constant 10 : i32
      %broadcast_in_dim3A_741 = vector.broadcast %broadcast_in_dim3A_740 : i32 to vector<16xi32>
      %broadcast_in_dim3A_742 = vector.broadcast %add3A_717 : i32 to vector<16xi32>
      %gather3A_743 = tpu.vector_load_idx %arg6[%broadcast_in_dim3A_741, %iota3A, %broadcast_in_dim3A_739] : memref<16x32x128xf32, #tpu.memory_space<vmem>>[vector<16xi32>, vector<16xi32>, vector<16xi32>], vector<16xf32>,
      %gather3A_744 = tpu.vector_load_idx %arg6[%broadcast_in_dim3A_741, %add3A_352, %broadcast_in_dim3A_739] : memref<16x32x128xf32, #tpu.memory_space<vmem>>[vector<16xi32>, vector<16xi32>, vector<16xi32>], vector<16xf32>,
      tpu.vector_store_idx %arg7[%iota3A, %broadcast_in_dim3A_742], %gather3A_743 : memref<32x512xf32, #tpu.memory_space<vmem>>[vector<16xi32>, vector<16xi32>], vector<16xf32>,
      tpu.vector_store_idx %arg7[%add3A_352, %broadcast_in_dim3A_742], %gather3A_744 : memref<32x512xf32, #tpu.memory_space<vmem>>[vector<16xi32>, vector<16xi32>], vector<16xf32>,
      %add3A_745 = arith.constant 16 : i32
      %add3A_746 = arith.addi %add3A_717, %add3A_745 : i32
      %lt3A_747 = arith.constant 512 : i32
      %lt3A_748 = arith.cmpi slt, %add3A_746, %lt3A_747 : i32
      %convert_element_type3A_749 = arith.extui %lt3A_748 : i1 to i32
      %cond3A_750 = arith.constant 0 : i32
      %cond3A_751 = arith.cmpi ne, %convert_element_type3A_749, %cond3A_750 : i32
      scf.if %cond3A_751 {
        %add3A_933 = arith.constant 16 : i32
        %add3A_934 = arith.addi %add3A_717, %add3A_933 : i32
        %get3A_935 = arith.index_cast %add3A_934 : i32 to index
        %get3A_936 = tpu.vector_load %arg5[%get3A_935] {strides = array<i32>} : memref<528xi32, #tpu.memory_space<vmem>>, vector<16xi32>,
        %slice3A_937 = vector.extract_strided_slice %get3A_936 {offsets = [0], sizes = [1], strides = [1]} : vector<16xi32> to vector<1xi32>
        %squeeze3A_938 = vector.extract %slice3A_937[0] : i32 from vector<1xi32>
        %shift_right_logical3A_939 = arith.constant 7 : i32
        %shift_right_logical3A_940 = arith.shrui %squeeze3A_938, %shift_right_logical3A_939 : i32
        %mul3A_941 = arith.constant 128 : i32
        %mul3A_942 = arith.muli %shift_right_logical3A_940, %mul3A_941 : i32
        %multiple_of3A_943 = tpu.assume_multiple %mul3A_942, 128 : i32
        %dma_start3A_944 = arith.constant 10 : i32
        %dma_start3A_945 = arith.constant 0 : i32
        %dma_start3A_946 = arith.constant 0 : i32
        %dma_start3A_947 = tpu.memref_slice %arg6[%dma_start3A_944, %dma_start3A_945, %dma_start3A_946] : memref<16x32x128xf32, #tpu.memory_space<vmem>> -> memref<1x32x128xf32, #tpu.memory_space<vmem>>
        %dma_start3A_948 = tpu.memref_squeeze %dma_start3A_947 : memref<1x32x128xf32, #tpu.memory_space<vmem>> -> memref<32x128xf32, #tpu.memory_space<vmem>>
        %dma_start3A_949 = arith.constant 0 : i32
        %dma_start3A_950 = tpu.memref_slice %arg2[%dma_start3A_949, %multiple_of3A_943] : memref<32x1000000xf32, #tpu.memory_space<hbm>> -> memref<32x128xf32, #tpu.memory_space<hbm>>
        %dma_start3A_951 = arith.constant 0 : i32
        %dma_start3A_952 = arith.constant 0 : i32
        %dma_start3A_953 = tpu.memref_slice %arg6[%dma_start3A_944, %dma_start3A_951, %dma_start3A_952] : memref<16x32x128xf32, #tpu.memory_space<vmem>> -> memref<1x32x128xf32, #tpu.memory_space<vmem>>
        %dma_start3A_954 = tpu.memref_squeeze %dma_start3A_953 : memref<1x32x128xf32, #tpu.memory_space<vmem>> -> memref<32x128xf32, #tpu.memory_space<vmem>>
        %dma_start3A_955 = arith.constant 0 : i32
        %dma_start3A_956 = tpu.memref_slice %arg2[%dma_start3A_955, %multiple_of3A_943] : memref<32x1000000xf32, #tpu.memory_space<hbm>> -> memref<32x128xf32, #tpu.memory_space<hbm>>
        tpu.enqueue_dma source(%dma_start3A_956 : memref<32x128xf32, #tpu.memory_space<hbm>>) target(%dma_start3A_954 : memref<32x128xf32, #tpu.memory_space<vmem>>) target_semaphore(%arg8 : memref<!tpu.dma_semaphore, #tpu.memory_space<semaphore_mem>>)
      } else {
      }
      %add3A_752 = arith.constant 11 : i32
      %add3A_753 = arith.addi %mul3A_362, %add3A_752 : i32
      %dma_wait3A_754 = arith.constant 11 : i32
      %dma_wait3A_755 = arith.constant 0 : i32
      %dma_wait3A_756 = arith.constant 0 : i32
      %dma_wait3A_757 = tpu.memref_slice %arg6[%dma_wait3A_754, %dma_wait3A_755, %dma_wait3A_756] : memref<16x32x128xf32, #tpu.memory_space<vmem>> -> memref<1x32x128xf32, #tpu.memory_space<vmem>>
      %dma_wait3A_758 = tpu.memref_squeeze %dma_wait3A_757 : memref<1x32x128xf32, #tpu.memory_space<vmem>> -> memref<32x128xf32, #tpu.memory_space<vmem>>
      %dma_wait3A_759 = arith.constant 0 : i32
      %dma_wait3A_760 = arith.constant 0 : i32
      %dma_wait3A_761 = tpu.memref_slice %arg2[%dma_wait3A_759, %dma_wait3A_760] : memref<32x1000000xf32, #tpu.memory_space<hbm>> -> memref<32x128xf32, #tpu.memory_space<hbm>>
      %dma_wait3A_762 = arith.constant 0 : i32
      %dma_wait3A_763 = arith.constant 0 : i32
      %dma_wait3A_764 = tpu.memref_slice %arg6[%dma_wait3A_754, %dma_wait3A_762, %dma_wait3A_763] : memref<16x32x128xf32, #tpu.memory_space<vmem>> -> memref<1x32x128xf32, #tpu.memory_space<vmem>>
      %dma_wait3A_765 = tpu.memref_squeeze %dma_wait3A_764 : memref<1x32x128xf32, #tpu.memory_space<vmem>> -> memref<32x128xf32, #tpu.memory_space<vmem>>
      %dma_wait3A_766 = arith.constant 0 : i32
      %dma_wait3A_767 = arith.constant 0 : i32
      %dma_wait3A_768 = tpu.memref_slice %arg2[%dma_wait3A_766, %dma_wait3A_767] : memref<32x1000000xf32, #tpu.memory_space<hbm>> -> memref<32x128xf32, #tpu.memory_space<hbm>>
      tpu.wait_dma2 semaphore(%arg8 : memref<!tpu.dma_semaphore, #tpu.memory_space<semaphore_mem>>) src(%dma_wait3A_768 : memref<32x128xf32, #tpu.memory_space<hbm>>) dst(%dma_wait3A_765 : memref<32x128xf32, #tpu.memory_space<vmem>>)
      %get3A_769 = arith.index_cast %add3A_753 : i32 to index
      %get3A_770 = tpu.vector_load %arg5[%get3A_769] {strides = array<i32>} : memref<528xi32, #tpu.memory_space<vmem>>, vector<16xi32>,
      %slice3A_771 = vector.extract_strided_slice %get3A_770 {offsets = [0], sizes = [1], strides = [1]} : vector<16xi32> to vector<1xi32>
      %squeeze3A_772 = vector.extract %slice3A_771[0] : i32 from vector<1xi32>
      %and3A_773 = arith.constant 127 : i32
      %and3A_774 = arith.andi %squeeze3A_772, %and3A_773 : i32
      %broadcast_in_dim3A_775 = vector.broadcast %and3A_774 : i32 to vector<16xi32>
      %broadcast_in_dim3A_776 = arith.constant 11 : i32
      %broadcast_in_dim3A_777 = vector.broadcast %broadcast_in_dim3A_776 : i32 to vector<16xi32>
      %broadcast_in_dim3A_778 = vector.broadcast %add3A_753 : i32 to vector<16xi32>
      %gather3A_779 = tpu.vector_load_idx %arg6[%broadcast_in_dim3A_777, %iota3A, %broadcast_in_dim3A_775] : memref<16x32x128xf32, #tpu.memory_space<vmem>>[vector<16xi32>, vector<16xi32>, vector<16xi32>], vector<16xf32>,
      %gather3A_780 = tpu.vector_load_idx %arg6[%broadcast_in_dim3A_777, %add3A_352, %broadcast_in_dim3A_775] : memref<16x32x128xf32, #tpu.memory_space<vmem>>[vector<16xi32>, vector<16xi32>, vector<16xi32>], vector<16xf32>,
      tpu.vector_store_idx %arg7[%iota3A, %broadcast_in_dim3A_778], %gather3A_779 : memref<32x512xf32, #tpu.memory_space<vmem>>[vector<16xi32>, vector<16xi32>], vector<16xf32>,
      tpu.vector_store_idx %arg7[%add3A_352, %broadcast_in_dim3A_778], %gather3A_780 : memref<32x512xf32, #tpu.memory_space<vmem>>[vector<16xi32>, vector<16xi32>], vector<16xf32>,
      %add3A_781 = arith.constant 16 : i32
      %add3A_782 = arith.addi %add3A_753, %add3A_781 : i32
      %lt3A_783 = arith.constant 512 : i32
      %lt3A_784 = arith.cmpi slt, %add3A_782, %lt3A_783 : i32
      %convert_element_type3A_785 = arith.extui %lt3A_784 : i1 to i32
      %cond3A_786 = arith.constant 0 : i32
      %cond3A_787 = arith.cmpi ne, %convert_element_type3A_785, %cond3A_786 : i32
      scf.if %cond3A_787 {
        %add3A_933 = arith.constant 16 : i32
        %add3A_934 = arith.addi %add3A_753, %add3A_933 : i32
        %get3A_935 = arith.index_cast %add3A_934 : i32 to index
        %get3A_936 = tpu.vector_load %arg5[%get3A_935] {strides = array<i32>} : memref<528xi32, #tpu.memory_space<vmem>>, vector<16xi32>,
        %slice3A_937 = vector.extract_strided_slice %get3A_936 {offsets = [0], sizes = [1], strides = [1]} : vector<16xi32> to vector<1xi32>
        %squeeze3A_938 = vector.extract %slice3A_937[0] : i32 from vector<1xi32>
        %shift_right_logical3A_939 = arith.constant 7 : i32
        %shift_right_logical3A_940 = arith.shrui %squeeze3A_938, %shift_right_logical3A_939 : i32
        %mul3A_941 = arith.constant 128 : i32
        %mul3A_942 = arith.muli %shift_right_logical3A_940, %mul3A_941 : i32
        %multiple_of3A_943 = tpu.assume_multiple %mul3A_942, 128 : i32
        %dma_start3A_944 = arith.constant 11 : i32
        %dma_start3A_945 = arith.constant 0 : i32
        %dma_start3A_946 = arith.constant 0 : i32
        %dma_start3A_947 = tpu.memref_slice %arg6[%dma_start3A_944, %dma_start3A_945, %dma_start3A_946] : memref<16x32x128xf32, #tpu.memory_space<vmem>> -> memref<1x32x128xf32, #tpu.memory_space<vmem>>
        %dma_start3A_948 = tpu.memref_squeeze %dma_start3A_947 : memref<1x32x128xf32, #tpu.memory_space<vmem>> -> memref<32x128xf32, #tpu.memory_space<vmem>>
        %dma_start3A_949 = arith.constant 0 : i32
        %dma_start3A_950 = tpu.memref_slice %arg2[%dma_start3A_949, %multiple_of3A_943] : memref<32x1000000xf32, #tpu.memory_space<hbm>> -> memref<32x128xf32, #tpu.memory_space<hbm>>
        %dma_start3A_951 = arith.constant 0 : i32
        %dma_start3A_952 = arith.constant 0 : i32
        %dma_start3A_953 = tpu.memref_slice %arg6[%dma_start3A_944, %dma_start3A_951, %dma_start3A_952] : memref<16x32x128xf32, #tpu.memory_space<vmem>> -> memref<1x32x128xf32, #tpu.memory_space<vmem>>
        %dma_start3A_954 = tpu.memref_squeeze %dma_start3A_953 : memref<1x32x128xf32, #tpu.memory_space<vmem>> -> memref<32x128xf32, #tpu.memory_space<vmem>>
        %dma_start3A_955 = arith.constant 0 : i32
        %dma_start3A_956 = tpu.memref_slice %arg2[%dma_start3A_955, %multiple_of3A_943] : memref<32x1000000xf32, #tpu.memory_space<hbm>> -> memref<32x128xf32, #tpu.memory_space<hbm>>
        tpu.enqueue_dma source(%dma_start3A_956 : memref<32x128xf32, #tpu.memory_space<hbm>>) target(%dma_start3A_954 : memref<32x128xf32, #tpu.memory_space<vmem>>) target_semaphore(%arg8 : memref<!tpu.dma_semaphore, #tpu.memory_space<semaphore_mem>>)
      } else {
      }
      %add3A_788 = arith.constant 12 : i32
      %add3A_789 = arith.addi %mul3A_362, %add3A_788 : i32
      %dma_wait3A_790 = arith.constant 12 : i32
      %dma_wait3A_791 = arith.constant 0 : i32
      %dma_wait3A_792 = arith.constant 0 : i32
      %dma_wait3A_793 = tpu.memref_slice %arg6[%dma_wait3A_790, %dma_wait3A_791, %dma_wait3A_792] : memref<16x32x128xf32, #tpu.memory_space<vmem>> -> memref<1x32x128xf32, #tpu.memory_space<vmem>>
      %dma_wait3A_794 = tpu.memref_squeeze %dma_wait3A_793 : memref<1x32x128xf32, #tpu.memory_space<vmem>> -> memref<32x128xf32, #tpu.memory_space<vmem>>
      %dma_wait3A_795 = arith.constant 0 : i32
      %dma_wait3A_796 = arith.constant 0 : i32
      %dma_wait3A_797 = tpu.memref_slice %arg2[%dma_wait3A_795, %dma_wait3A_796] : memref<32x1000000xf32, #tpu.memory_space<hbm>> -> memref<32x128xf32, #tpu.memory_space<hbm>>
      %dma_wait3A_798 = arith.constant 0 : i32
      %dma_wait3A_799 = arith.constant 0 : i32
      %dma_wait3A_800 = tpu.memref_slice %arg6[%dma_wait3A_790, %dma_wait3A_798, %dma_wait3A_799] : memref<16x32x128xf32, #tpu.memory_space<vmem>> -> memref<1x32x128xf32, #tpu.memory_space<vmem>>
      %dma_wait3A_801 = tpu.memref_squeeze %dma_wait3A_800 : memref<1x32x128xf32, #tpu.memory_space<vmem>> -> memref<32x128xf32, #tpu.memory_space<vmem>>
      %dma_wait3A_802 = arith.constant 0 : i32
      %dma_wait3A_803 = arith.constant 0 : i32
      %dma_wait3A_804 = tpu.memref_slice %arg2[%dma_wait3A_802, %dma_wait3A_803] : memref<32x1000000xf32, #tpu.memory_space<hbm>> -> memref<32x128xf32, #tpu.memory_space<hbm>>
      tpu.wait_dma2 semaphore(%arg8 : memref<!tpu.dma_semaphore, #tpu.memory_space<semaphore_mem>>) src(%dma_wait3A_804 : memref<32x128xf32, #tpu.memory_space<hbm>>) dst(%dma_wait3A_801 : memref<32x128xf32, #tpu.memory_space<vmem>>)
      %get3A_805 = arith.index_cast %add3A_789 : i32 to index
      %get3A_806 = tpu.vector_load %arg5[%get3A_805] {strides = array<i32>} : memref<528xi32, #tpu.memory_space<vmem>>, vector<16xi32>,
      %slice3A_807 = vector.extract_strided_slice %get3A_806 {offsets = [0], sizes = [1], strides = [1]} : vector<16xi32> to vector<1xi32>
      %squeeze3A_808 = vector.extract %slice3A_807[0] : i32 from vector<1xi32>
      %and3A_809 = arith.constant 127 : i32
      %and3A_810 = arith.andi %squeeze3A_808, %and3A_809 : i32
      %broadcast_in_dim3A_811 = vector.broadcast %and3A_810 : i32 to vector<16xi32>
      %broadcast_in_dim3A_812 = arith.constant 12 : i32
      %broadcast_in_dim3A_813 = vector.broadcast %broadcast_in_dim3A_812 : i32 to vector<16xi32>
      %broadcast_in_dim3A_814 = vector.broadcast %add3A_789 : i32 to vector<16xi32>
      %gather3A_815 = tpu.vector_load_idx %arg6[%broadcast_in_dim3A_813, %iota3A, %broadcast_in_dim3A_811] : memref<16x32x128xf32, #tpu.memory_space<vmem>>[vector<16xi32>, vector<16xi32>, vector<16xi32>], vector<16xf32>,
      %gather3A_816 = tpu.vector_load_idx %arg6[%broadcast_in_dim3A_813, %add3A_352, %broadcast_in_dim3A_811] : memref<16x32x128xf32, #tpu.memory_space<vmem>>[vector<16xi32>, vector<16xi32>, vector<16xi32>], vector<16xf32>,
      tpu.vector_store_idx %arg7[%iota3A, %broadcast_in_dim3A_814], %gather3A_815 : memref<32x512xf32, #tpu.memory_space<vmem>>[vector<16xi32>, vector<16xi32>], vector<16xf32>,
      tpu.vector_store_idx %arg7[%add3A_352, %broadcast_in_dim3A_814], %gather3A_816 : memref<32x512xf32, #tpu.memory_space<vmem>>[vector<16xi32>, vector<16xi32>], vector<16xf32>,
      %add3A_817 = arith.constant 16 : i32
      %add3A_818 = arith.addi %add3A_789, %add3A_817 : i32
      %lt3A_819 = arith.constant 512 : i32
      %lt3A_820 = arith.cmpi slt, %add3A_818, %lt3A_819 : i32
      %convert_element_type3A_821 = arith.extui %lt3A_820 : i1 to i32
      %cond3A_822 = arith.constant 0 : i32
      %cond3A_823 = arith.cmpi ne, %convert_element_type3A_821, %cond3A_822 : i32
      scf.if %cond3A_823 {
        %add3A_933 = arith.constant 16 : i32
        %add3A_934 = arith.addi %add3A_789, %add3A_933 : i32
        %get3A_935 = arith.index_cast %add3A_934 : i32 to index
        %get3A_936 = tpu.vector_load %arg5[%get3A_935] {strides = array<i32>} : memref<528xi32, #tpu.memory_space<vmem>>, vector<16xi32>,
        %slice3A_937 = vector.extract_strided_slice %get3A_936 {offsets = [0], sizes = [1], strides = [1]} : vector<16xi32> to vector<1xi32>
        %squeeze3A_938 = vector.extract %slice3A_937[0] : i32 from vector<1xi32>
        %shift_right_logical3A_939 = arith.constant 7 : i32
        %shift_right_logical3A_940 = arith.shrui %squeeze3A_938, %shift_right_logical3A_939 : i32
        %mul3A_941 = arith.constant 128 : i32
        %mul3A_942 = arith.muli %shift_right_logical3A_940, %mul3A_941 : i32
        %multiple_of3A_943 = tpu.assume_multiple %mul3A_942, 128 : i32
        %dma_start3A_944 = arith.constant 12 : i32
        %dma_start3A_945 = arith.constant 0 : i32
        %dma_start3A_946 = arith.constant 0 : i32
        %dma_start3A_947 = tpu.memref_slice %arg6[%dma_start3A_944, %dma_start3A_945, %dma_start3A_946] : memref<16x32x128xf32, #tpu.memory_space<vmem>> -> memref<1x32x128xf32, #tpu.memory_space<vmem>>
        %dma_start3A_948 = tpu.memref_squeeze %dma_start3A_947 : memref<1x32x128xf32, #tpu.memory_space<vmem>> -> memref<32x128xf32, #tpu.memory_space<vmem>>
        %dma_start3A_949 = arith.constant 0 : i32
        %dma_start3A_950 = tpu.memref_slice %arg2[%dma_start3A_949, %multiple_of3A_943] : memref<32x1000000xf32, #tpu.memory_space<hbm>> -> memref<32x128xf32, #tpu.memory_space<hbm>>
        %dma_start3A_951 = arith.constant 0 : i32
        %dma_start3A_952 = arith.constant 0 : i32
        %dma_start3A_953 = tpu.memref_slice %arg6[%dma_start3A_944, %dma_start3A_951, %dma_start3A_952] : memref<16x32x128xf32, #tpu.memory_space<vmem>> -> memref<1x32x128xf32, #tpu.memory_space<vmem>>
        %dma_start3A_954 = tpu.memref_squeeze %dma_start3A_953 : memref<1x32x128xf32, #tpu.memory_space<vmem>> -> memref<32x128xf32, #tpu.memory_space<vmem>>
        %dma_start3A_955 = arith.constant 0 : i32
        %dma_start3A_956 = tpu.memref_slice %arg2[%dma_start3A_955, %multiple_of3A_943] : memref<32x1000000xf32, #tpu.memory_space<hbm>> -> memref<32x128xf32, #tpu.memory_space<hbm>>
        tpu.enqueue_dma source(%dma_start3A_956 : memref<32x128xf32, #tpu.memory_space<hbm>>) target(%dma_start3A_954 : memref<32x128xf32, #tpu.memory_space<vmem>>) target_semaphore(%arg8 : memref<!tpu.dma_semaphore, #tpu.memory_space<semaphore_mem>>)
      } else {
      }
      %add3A_824 = arith.constant 13 : i32
      %add3A_825 = arith.addi %mul3A_362, %add3A_824 : i32
      %dma_wait3A_826 = arith.constant 13 : i32
      %dma_wait3A_827 = arith.constant 0 : i32
      %dma_wait3A_828 = arith.constant 0 : i32
      %dma_wait3A_829 = tpu.memref_slice %arg6[%dma_wait3A_826, %dma_wait3A_827, %dma_wait3A_828] : memref<16x32x128xf32, #tpu.memory_space<vmem>> -> memref<1x32x128xf32, #tpu.memory_space<vmem>>
      %dma_wait3A_830 = tpu.memref_squeeze %dma_wait3A_829 : memref<1x32x128xf32, #tpu.memory_space<vmem>> -> memref<32x128xf32, #tpu.memory_space<vmem>>
      %dma_wait3A_831 = arith.constant 0 : i32
      %dma_wait3A_832 = arith.constant 0 : i32
      %dma_wait3A_833 = tpu.memref_slice %arg2[%dma_wait3A_831, %dma_wait3A_832] : memref<32x1000000xf32, #tpu.memory_space<hbm>> -> memref<32x128xf32, #tpu.memory_space<hbm>>
      %dma_wait3A_834 = arith.constant 0 : i32
      %dma_wait3A_835 = arith.constant 0 : i32
      %dma_wait3A_836 = tpu.memref_slice %arg6[%dma_wait3A_826, %dma_wait3A_834, %dma_wait3A_835] : memref<16x32x128xf32, #tpu.memory_space<vmem>> -> memref<1x32x128xf32, #tpu.memory_space<vmem>>
      %dma_wait3A_837 = tpu.memref_squeeze %dma_wait3A_836 : memref<1x32x128xf32, #tpu.memory_space<vmem>> -> memref<32x128xf32, #tpu.memory_space<vmem>>
      %dma_wait3A_838 = arith.constant 0 : i32
      %dma_wait3A_839 = arith.constant 0 : i32
      %dma_wait3A_840 = tpu.memref_slice %arg2[%dma_wait3A_838, %dma_wait3A_839] : memref<32x1000000xf32, #tpu.memory_space<hbm>> -> memref<32x128xf32, #tpu.memory_space<hbm>>
      tpu.wait_dma2 semaphore(%arg8 : memref<!tpu.dma_semaphore, #tpu.memory_space<semaphore_mem>>) src(%dma_wait3A_840 : memref<32x128xf32, #tpu.memory_space<hbm>>) dst(%dma_wait3A_837 : memref<32x128xf32, #tpu.memory_space<vmem>>)
      %get3A_841 = arith.index_cast %add3A_825 : i32 to index
      %get3A_842 = tpu.vector_load %arg5[%get3A_841] {strides = array<i32>} : memref<528xi32, #tpu.memory_space<vmem>>, vector<16xi32>,
      %slice3A_843 = vector.extract_strided_slice %get3A_842 {offsets = [0], sizes = [1], strides = [1]} : vector<16xi32> to vector<1xi32>
      %squeeze3A_844 = vector.extract %slice3A_843[0] : i32 from vector<1xi32>
      %and3A_845 = arith.constant 127 : i32
      %and3A_846 = arith.andi %squeeze3A_844, %and3A_845 : i32
      %broadcast_in_dim3A_847 = vector.broadcast %and3A_846 : i32 to vector<16xi32>
      %broadcast_in_dim3A_848 = arith.constant 13 : i32
      %broadcast_in_dim3A_849 = vector.broadcast %broadcast_in_dim3A_848 : i32 to vector<16xi32>
      %broadcast_in_dim3A_850 = vector.broadcast %add3A_825 : i32 to vector<16xi32>
      %gather3A_851 = tpu.vector_load_idx %arg6[%broadcast_in_dim3A_849, %iota3A, %broadcast_in_dim3A_847] : memref<16x32x128xf32, #tpu.memory_space<vmem>>[vector<16xi32>, vector<16xi32>, vector<16xi32>], vector<16xf32>,
      %gather3A_852 = tpu.vector_load_idx %arg6[%broadcast_in_dim3A_849, %add3A_352, %broadcast_in_dim3A_847] : memref<16x32x128xf32, #tpu.memory_space<vmem>>[vector<16xi32>, vector<16xi32>, vector<16xi32>], vector<16xf32>,
      tpu.vector_store_idx %arg7[%iota3A, %broadcast_in_dim3A_850], %gather3A_851 : memref<32x512xf32, #tpu.memory_space<vmem>>[vector<16xi32>, vector<16xi32>], vector<16xf32>,
      tpu.vector_store_idx %arg7[%add3A_352, %broadcast_in_dim3A_850], %gather3A_852 : memref<32x512xf32, #tpu.memory_space<vmem>>[vector<16xi32>, vector<16xi32>], vector<16xf32>,
      %add3A_853 = arith.constant 16 : i32
      %add3A_854 = arith.addi %add3A_825, %add3A_853 : i32
      %lt3A_855 = arith.constant 512 : i32
      %lt3A_856 = arith.cmpi slt, %add3A_854, %lt3A_855 : i32
      %convert_element_type3A_857 = arith.extui %lt3A_856 : i1 to i32
      %cond3A_858 = arith.constant 0 : i32
      %cond3A_859 = arith.cmpi ne, %convert_element_type3A_857, %cond3A_858 : i32
      scf.if %cond3A_859 {
        %add3A_933 = arith.constant 16 : i32
        %add3A_934 = arith.addi %add3A_825, %add3A_933 : i32
        %get3A_935 = arith.index_cast %add3A_934 : i32 to index
        %get3A_936 = tpu.vector_load %arg5[%get3A_935] {strides = array<i32>} : memref<528xi32, #tpu.memory_space<vmem>>, vector<16xi32>,
        %slice3A_937 = vector.extract_strided_slice %get3A_936 {offsets = [0], sizes = [1], strides = [1]} : vector<16xi32> to vector<1xi32>
        %squeeze3A_938 = vector.extract %slice3A_937[0] : i32 from vector<1xi32>
        %shift_right_logical3A_939 = arith.constant 7 : i32
        %shift_right_logical3A_940 = arith.shrui %squeeze3A_938, %shift_right_logical3A_939 : i32
        %mul3A_941 = arith.constant 128 : i32
        %mul3A_942 = arith.muli %shift_right_logical3A_940, %mul3A_941 : i32
        %multiple_of3A_943 = tpu.assume_multiple %mul3A_942, 128 : i32
        %dma_start3A_944 = arith.constant 13 : i32
        %dma_start3A_945 = arith.constant 0 : i32
        %dma_start3A_946 = arith.constant 0 : i32
        %dma_start3A_947 = tpu.memref_slice %arg6[%dma_start3A_944, %dma_start3A_945, %dma_start3A_946] : memref<16x32x128xf32, #tpu.memory_space<vmem>> -> memref<1x32x128xf32, #tpu.memory_space<vmem>>
        %dma_start3A_948 = tpu.memref_squeeze %dma_start3A_947 : memref<1x32x128xf32, #tpu.memory_space<vmem>> -> memref<32x128xf32, #tpu.memory_space<vmem>>
        %dma_start3A_949 = arith.constant 0 : i32
        %dma_start3A_950 = tpu.memref_slice %arg2[%dma_start3A_949, %multiple_of3A_943] : memref<32x1000000xf32, #tpu.memory_space<hbm>> -> memref<32x128xf32, #tpu.memory_space<hbm>>
        %dma_start3A_951 = arith.constant 0 : i32
        %dma_start3A_952 = arith.constant 0 : i32
        %dma_start3A_953 = tpu.memref_slice %arg6[%dma_start3A_944, %dma_start3A_951, %dma_start3A_952] : memref<16x32x128xf32, #tpu.memory_space<vmem>> -> memref<1x32x128xf32, #tpu.memory_space<vmem>>
        %dma_start3A_954 = tpu.memref_squeeze %dma_start3A_953 : memref<1x32x128xf32, #tpu.memory_space<vmem>> -> memref<32x128xf32, #tpu.memory_space<vmem>>
        %dma_start3A_955 = arith.constant 0 : i32
        %dma_start3A_956 = tpu.memref_slice %arg2[%dma_start3A_955, %multiple_of3A_943] : memref<32x1000000xf32, #tpu.memory_space<hbm>> -> memref<32x128xf32, #tpu.memory_space<hbm>>
        tpu.enqueue_dma source(%dma_start3A_956 : memref<32x128xf32, #tpu.memory_space<hbm>>) target(%dma_start3A_954 : memref<32x128xf32, #tpu.memory_space<vmem>>) target_semaphore(%arg8 : memref<!tpu.dma_semaphore, #tpu.memory_space<semaphore_mem>>)
      } else {
      }
      %add3A_860 = arith.constant 14 : i32
      %add3A_861 = arith.addi %mul3A_362, %add3A_860 : i32
      %dma_wait3A_862 = arith.constant 14 : i32
      %dma_wait3A_863 = arith.constant 0 : i32
      %dma_wait3A_864 = arith.constant 0 : i32
      %dma_wait3A_865 = tpu.memref_slice %arg6[%dma_wait3A_862, %dma_wait3A_863, %dma_wait3A_864] : memref<16x32x128xf32, #tpu.memory_space<vmem>> -> memref<1x32x128xf32, #tpu.memory_space<vmem>>
      %dma_wait3A_866 = tpu.memref_squeeze %dma_wait3A_865 : memref<1x32x128xf32, #tpu.memory_space<vmem>> -> memref<32x128xf32, #tpu.memory_space<vmem>>
      %dma_wait3A_867 = arith.constant 0 : i32
      %dma_wait3A_868 = arith.constant 0 : i32
      %dma_wait3A_869 = tpu.memref_slice %arg2[%dma_wait3A_867, %dma_wait3A_868] : memref<32x1000000xf32, #tpu.memory_space<hbm>> -> memref<32x128xf32, #tpu.memory_space<hbm>>
      %dma_wait3A_870 = arith.constant 0 : i32
      %dma_wait3A_871 = arith.constant 0 : i32
      %dma_wait3A_872 = tpu.memref_slice %arg6[%dma_wait3A_862, %dma_wait3A_870, %dma_wait3A_871] : memref<16x32x128xf32, #tpu.memory_space<vmem>> -> memref<1x32x128xf32, #tpu.memory_space<vmem>>
      %dma_wait3A_873 = tpu.memref_squeeze %dma_wait3A_872 : memref<1x32x128xf32, #tpu.memory_space<vmem>> -> memref<32x128xf32, #tpu.memory_space<vmem>>
      %dma_wait3A_874 = arith.constant 0 : i32
      %dma_wait3A_875 = arith.constant 0 : i32
      %dma_wait3A_876 = tpu.memref_slice %arg2[%dma_wait3A_874, %dma_wait3A_875] : memref<32x1000000xf32, #tpu.memory_space<hbm>> -> memref<32x128xf32, #tpu.memory_space<hbm>>
      tpu.wait_dma2 semaphore(%arg8 : memref<!tpu.dma_semaphore, #tpu.memory_space<semaphore_mem>>) src(%dma_wait3A_876 : memref<32x128xf32, #tpu.memory_space<hbm>>) dst(%dma_wait3A_873 : memref<32x128xf32, #tpu.memory_space<vmem>>)
      %get3A_877 = arith.index_cast %add3A_861 : i32 to index
      %get3A_878 = tpu.vector_load %arg5[%get3A_877] {strides = array<i32>} : memref<528xi32, #tpu.memory_space<vmem>>, vector<16xi32>,
      %slice3A_879 = vector.extract_strided_slice %get3A_878 {offsets = [0], sizes = [1], strides = [1]} : vector<16xi32> to vector<1xi32>
      %squeeze3A_880 = vector.extract %slice3A_879[0] : i32 from vector<1xi32>
      %and3A_881 = arith.constant 127 : i32
      %and3A_882 = arith.andi %squeeze3A_880, %and3A_881 : i32
      %broadcast_in_dim3A_883 = vector.broadcast %and3A_882 : i32 to vector<16xi32>
      %broadcast_in_dim3A_884 = arith.constant 14 : i32
      %broadcast_in_dim3A_885 = vector.broadcast %broadcast_in_dim3A_884 : i32 to vector<16xi32>
      %broadcast_in_dim3A_886 = vector.broadcast %add3A_861 : i32 to vector<16xi32>
      %gather3A_887 = tpu.vector_load_idx %arg6[%broadcast_in_dim3A_885, %iota3A, %broadcast_in_dim3A_883] : memref<16x32x128xf32, #tpu.memory_space<vmem>>[vector<16xi32>, vector<16xi32>, vector<16xi32>], vector<16xf32>,
      %gather3A_888 = tpu.vector_load_idx %arg6[%broadcast_in_dim3A_885, %add3A_352, %broadcast_in_dim3A_883] : memref<16x32x128xf32, #tpu.memory_space<vmem>>[vector<16xi32>, vector<16xi32>, vector<16xi32>], vector<16xf32>,
      tpu.vector_store_idx %arg7[%iota3A, %broadcast_in_dim3A_886], %gather3A_887 : memref<32x512xf32, #tpu.memory_space<vmem>>[vector<16xi32>, vector<16xi32>], vector<16xf32>,
      tpu.vector_store_idx %arg7[%add3A_352, %broadcast_in_dim3A_886], %gather3A_888 : memref<32x512xf32, #tpu.memory_space<vmem>>[vector<16xi32>, vector<16xi32>], vector<16xf32>,
      %add3A_889 = arith.constant 16 : i32
      %add3A_890 = arith.addi %add3A_861, %add3A_889 : i32
      %lt3A_891 = arith.constant 512 : i32
      %lt3A_892 = arith.cmpi slt, %add3A_890, %lt3A_891 : i32
      %convert_element_type3A_893 = arith.extui %lt3A_892 : i1 to i32
      %cond3A_894 = arith.constant 0 : i32
      %cond3A_895 = arith.cmpi ne, %convert_element_type3A_893, %cond3A_894 : i32
      scf.if %cond3A_895 {
        %add3A_933 = arith.constant 16 : i32
        %add3A_934 = arith.addi %add3A_861, %add3A_933 : i32
        %get3A_935 = arith.index_cast %add3A_934 : i32 to index
        %get3A_936 = tpu.vector_load %arg5[%get3A_935] {strides = array<i32>} : memref<528xi32, #tpu.memory_space<vmem>>, vector<16xi32>,
        %slice3A_937 = vector.extract_strided_slice %get3A_936 {offsets = [0], sizes = [1], strides = [1]} : vector<16xi32> to vector<1xi32>
        %squeeze3A_938 = vector.extract %slice3A_937[0] : i32 from vector<1xi32>
        %shift_right_logical3A_939 = arith.constant 7 : i32
        %shift_right_logical3A_940 = arith.shrui %squeeze3A_938, %shift_right_logical3A_939 : i32
        %mul3A_941 = arith.constant 128 : i32
        %mul3A_942 = arith.muli %shift_right_logical3A_940, %mul3A_941 : i32
        %multiple_of3A_943 = tpu.assume_multiple %mul3A_942, 128 : i32
        %dma_start3A_944 = arith.constant 14 : i32
        %dma_start3A_945 = arith.constant 0 : i32
        %dma_start3A_946 = arith.constant 0 : i32
        %dma_start3A_947 = tpu.memref_slice %arg6[%dma_start3A_944, %dma_start3A_945, %dma_start3A_946] : memref<16x32x128xf32, #tpu.memory_space<vmem>> -> memref<1x32x128xf32, #tpu.memory_space<vmem>>
        %dma_start3A_948 = tpu.memref_squeeze %dma_start3A_947 : memref<1x32x128xf32, #tpu.memory_space<vmem>> -> memref<32x128xf32, #tpu.memory_space<vmem>>
        %dma_start3A_949 = arith.constant 0 : i32
        %dma_start3A_950 = tpu.memref_slice %arg2[%dma_start3A_949, %multiple_of3A_943] : memref<32x1000000xf32, #tpu.memory_space<hbm>> -> memref<32x128xf32, #tpu.memory_space<hbm>>
        %dma_start3A_951 = arith.constant 0 : i32
        %dma_start3A_952 = arith.constant 0 : i32
        %dma_start3A_953 = tpu.memref_slice %arg6[%dma_start3A_944, %dma_start3A_951, %dma_start3A_952] : memref<16x32x128xf32, #tpu.memory_space<vmem>> -> memref<1x32x128xf32, #tpu.memory_space<vmem>>
        %dma_start3A_954 = tpu.memref_squeeze %dma_start3A_953 : memref<1x32x128xf32, #tpu.memory_space<vmem>> -> memref<32x128xf32, #tpu.memory_space<vmem>>
        %dma_start3A_955 = arith.constant 0 : i32
        %dma_start3A_956 = tpu.memref_slice %arg2[%dma_start3A_955, %multiple_of3A_943] : memref<32x1000000xf32, #tpu.memory_space<hbm>> -> memref<32x128xf32, #tpu.memory_space<hbm>>
        tpu.enqueue_dma source(%dma_start3A_956 : memref<32x128xf32, #tpu.memory_space<hbm>>) target(%dma_start3A_954 : memref<32x128xf32, #tpu.memory_space<vmem>>) target_semaphore(%arg8 : memref<!tpu.dma_semaphore, #tpu.memory_space<semaphore_mem>>)
      } else {
      }
      %add3A_896 = arith.constant 15 : i32
      %add3A_897 = arith.addi %mul3A_362, %add3A_896 : i32
      %dma_wait3A_898 = arith.constant 15 : i32
      %dma_wait3A_899 = arith.constant 0 : i32
      %dma_wait3A_900 = arith.constant 0 : i32
      %dma_wait3A_901 = tpu.memref_slice %arg6[%dma_wait3A_898, %dma_wait3A_899, %dma_wait3A_900] : memref<16x32x128xf32, #tpu.memory_space<vmem>> -> memref<1x32x128xf32, #tpu.memory_space<vmem>>
      %dma_wait3A_902 = tpu.memref_squeeze %dma_wait3A_901 : memref<1x32x128xf32, #tpu.memory_space<vmem>> -> memref<32x128xf32, #tpu.memory_space<vmem>>
      %dma_wait3A_903 = arith.constant 0 : i32
      %dma_wait3A_904 = arith.constant 0 : i32
      %dma_wait3A_905 = tpu.memref_slice %arg2[%dma_wait3A_903, %dma_wait3A_904] : memref<32x1000000xf32, #tpu.memory_space<hbm>> -> memref<32x128xf32, #tpu.memory_space<hbm>>
      %dma_wait3A_906 = arith.constant 0 : i32
      %dma_wait3A_907 = arith.constant 0 : i32
      %dma_wait3A_908 = tpu.memref_slice %arg6[%dma_wait3A_898, %dma_wait3A_906, %dma_wait3A_907] : memref<16x32x128xf32, #tpu.memory_space<vmem>> -> memref<1x32x128xf32, #tpu.memory_space<vmem>>
      %dma_wait3A_909 = tpu.memref_squeeze %dma_wait3A_908 : memref<1x32x128xf32, #tpu.memory_space<vmem>> -> memref<32x128xf32, #tpu.memory_space<vmem>>
      %dma_wait3A_910 = arith.constant 0 : i32
      %dma_wait3A_911 = arith.constant 0 : i32
      %dma_wait3A_912 = tpu.memref_slice %arg2[%dma_wait3A_910, %dma_wait3A_911] : memref<32x1000000xf32, #tpu.memory_space<hbm>> -> memref<32x128xf32, #tpu.memory_space<hbm>>
      tpu.wait_dma2 semaphore(%arg8 : memref<!tpu.dma_semaphore, #tpu.memory_space<semaphore_mem>>) src(%dma_wait3A_912 : memref<32x128xf32, #tpu.memory_space<hbm>>) dst(%dma_wait3A_909 : memref<32x128xf32, #tpu.memory_space<vmem>>)
      %get3A_913 = arith.index_cast %add3A_897 : i32 to index
      %get3A_914 = tpu.vector_load %arg5[%get3A_913] {strides = array<i32>} : memref<528xi32, #tpu.memory_space<vmem>>, vector<16xi32>,
      %slice3A_915 = vector.extract_strided_slice %get3A_914 {offsets = [0], sizes = [1], strides = [1]} : vector<16xi32> to vector<1xi32>
      %squeeze3A_916 = vector.extract %slice3A_915[0] : i32 from vector<1xi32>
      %and3A_917 = arith.constant 127 : i32
      %and3A_918 = arith.andi %squeeze3A_916, %and3A_917 : i32
      %broadcast_in_dim3A_919 = vector.broadcast %and3A_918 : i32 to vector<16xi32>
      %broadcast_in_dim3A_920 = arith.constant 15 : i32
      %broadcast_in_dim3A_921 = vector.broadcast %broadcast_in_dim3A_920 : i32 to vector<16xi32>
      %broadcast_in_dim3A_922 = vector.broadcast %add3A_897 : i32 to vector<16xi32>
      %gather3A_923 = tpu.vector_load_idx %arg6[%broadcast_in_dim3A_921, %iota3A, %broadcast_in_dim3A_919] : memref<16x32x128xf32, #tpu.memory_space<vmem>>[vector<16xi32>, vector<16xi32>, vector<16xi32>], vector<16xf32>,
      %gather3A_924 = tpu.vector_load_idx %arg6[%broadcast_in_dim3A_921, %add3A_352, %broadcast_in_dim3A_919] : memref<16x32x128xf32, #tpu.memory_space<vmem>>[vector<16xi32>, vector<16xi32>, vector<16xi32>], vector<16xf32>,
      tpu.vector_store_idx %arg7[%iota3A, %broadcast_in_dim3A_922], %gather3A_923 : memref<32x512xf32, #tpu.memory_space<vmem>>[vector<16xi32>, vector<16xi32>], vector<16xf32>,
      tpu.vector_store_idx %arg7[%add3A_352, %broadcast_in_dim3A_922], %gather3A_924 : memref<32x512xf32, #tpu.memory_space<vmem>>[vector<16xi32>, vector<16xi32>], vector<16xf32>,
      %add3A_925 = arith.constant 16 : i32
      %add3A_926 = arith.addi %add3A_897, %add3A_925 : i32
      %lt3A_927 = arith.constant 512 : i32
      %lt3A_928 = arith.cmpi slt, %add3A_926, %lt3A_927 : i32
      %convert_element_type3A_929 = arith.extui %lt3A_928 : i1 to i32
      %cond3A_930 = arith.constant 0 : i32
      %cond3A_931 = arith.cmpi ne, %convert_element_type3A_929, %cond3A_930 : i32
      scf.if %cond3A_931 {
        %add3A_933 = arith.constant 16 : i32
        %add3A_934 = arith.addi %add3A_897, %add3A_933 : i32
        %get3A_935 = arith.index_cast %add3A_934 : i32 to index
        %get3A_936 = tpu.vector_load %arg5[%get3A_935] {strides = array<i32>} : memref<528xi32, #tpu.memory_space<vmem>>, vector<16xi32>,
        %slice3A_937 = vector.extract_strided_slice %get3A_936 {offsets = [0], sizes = [1], strides = [1]} : vector<16xi32> to vector<1xi32>
        %squeeze3A_938 = vector.extract %slice3A_937[0] : i32 from vector<1xi32>
        %shift_right_logical3A_939 = arith.constant 7 : i32
        %shift_right_logical3A_940 = arith.shrui %squeeze3A_938, %shift_right_logical3A_939 : i32
        %mul3A_941 = arith.constant 128 : i32
        %mul3A_942 = arith.muli %shift_right_logical3A_940, %mul3A_941 : i32
        %multiple_of3A_943 = tpu.assume_multiple %mul3A_942, 128 : i32
        %dma_start3A_944 = arith.constant 15 : i32
        %dma_start3A_945 = arith.constant 0 : i32
        %dma_start3A_946 = arith.constant 0 : i32
        %dma_start3A_947 = tpu.memref_slice %arg6[%dma_start3A_944, %dma_start3A_945, %dma_start3A_946] : memref<16x32x128xf32, #tpu.memory_space<vmem>> -> memref<1x32x128xf32, #tpu.memory_space<vmem>>
        %dma_start3A_948 = tpu.memref_squeeze %dma_start3A_947 : memref<1x32x128xf32, #tpu.memory_space<vmem>> -> memref<32x128xf32, #tpu.memory_space<vmem>>
        %dma_start3A_949 = arith.constant 0 : i32
        %dma_start3A_950 = tpu.memref_slice %arg2[%dma_start3A_949, %multiple_of3A_943] : memref<32x1000000xf32, #tpu.memory_space<hbm>> -> memref<32x128xf32, #tpu.memory_space<hbm>>
        %dma_start3A_951 = arith.constant 0 : i32
        %dma_start3A_952 = arith.constant 0 : i32
        %dma_start3A_953 = tpu.memref_slice %arg6[%dma_start3A_944, %dma_start3A_951, %dma_start3A_952] : memref<16x32x128xf32, #tpu.memory_space<vmem>> -> memref<1x32x128xf32, #tpu.memory_space<vmem>>
        %dma_start3A_954 = tpu.memref_squeeze %dma_start3A_953 : memref<1x32x128xf32, #tpu.memory_space<vmem>> -> memref<32x128xf32, #tpu.memory_space<vmem>>
        %dma_start3A_955 = arith.constant 0 : i32
        %dma_start3A_956 = tpu.memref_slice %arg2[%dma_start3A_955, %multiple_of3A_943] : memref<32x1000000xf32, #tpu.memory_space<hbm>> -> memref<32x128xf32, #tpu.memory_space<hbm>>
        tpu.enqueue_dma source(%dma_start3A_956 : memref<32x128xf32, #tpu.memory_space<hbm>>) target(%dma_start3A_954 : memref<32x128xf32, #tpu.memory_space<vmem>>) target_semaphore(%arg8 : memref<!tpu.dma_semaphore, #tpu.memory_space<semaphore_mem>>)
      } else {
      }
      %scan3A_932 = arith.constant 0 : i32
      scf.yield %scan3A_932 : i32
    }
    %scan3A_358 = arith.constant 32 : i32
    "tpu.region"() ({
      %run_scoped3A = tpu.sem_alloc : memref<!tpu.dma_semaphore, #tpu.memory_space<semaphore_mem>>
      %dma_start3A_359 = arith.constant 0 : i32
      %dma_start3A_360 = tpu.memref_slice %arg4[%dma_start3A_359, %multiple_of3A] : memref<32x16384xf32, #tpu.memory_space<hbm>> -> memref<32x512xf32, #tpu.memory_space<hbm>>
      %dma_start3A_361 = arith.constant 0 : i32
      %dma_start3A_362 = tpu.memref_slice %arg4[%dma_start3A_361, %multiple_of3A] : memref<32x16384xf32, #tpu.memory_space<hbm>> -> memref<32x512xf32, #tpu.memory_space<hbm>>
      tpu.enqueue_dma source(%arg7 : memref<32x512xf32, #tpu.memory_space<vmem>>) target(%dma_start3A_362 : memref<32x512xf32, #tpu.memory_space<hbm>>) target_semaphore(%run_scoped3A : memref<!tpu.dma_semaphore, #tpu.memory_space<semaphore_mem>>)
      %dma_wait3A = arith.constant 0 : i32
      %dma_wait3A_363 = tpu.memref_slice %arg4[%dma_wait3A, %multiple_of3A] : memref<32x16384xf32, #tpu.memory_space<hbm>> -> memref<32x512xf32, #tpu.memory_space<hbm>>
      %dma_wait3A_364 = arith.constant 0 : i32
      %dma_wait3A_365 = tpu.memref_slice %arg4[%dma_wait3A_364, %multiple_of3A] : memref<32x16384xf32, #tpu.memory_space<hbm>> -> memref<32x512xf32, #tpu.memory_space<hbm>>
      tpu.wait_dma2 semaphore(%run_scoped3A : memref<!tpu.dma_semaphore, #tpu.memory_space<semaphore_mem>>) src(%arg7 : memref<32x512xf32, #tpu.memory_space<vmem>>) dst(%dma_wait3A_365 : memref<32x512xf32, #tpu.memory_space<hbm>>)
      tpu.yield
    }) : () -> ()
    return
  }
}

</mosaic_0001>

<sc_bundles>
// kernel: kernel.3.cloned.1.call-start
scs
__scs_entry_jumppad:
0x0: {  	(pc) =	sbr.rel $0x88, $3  }
0x1: {  	(tag) =	ssettag $0x0;
	lr =	simm.s32 $0x1  }
0x2: {  	[smem:$0x3F9F] =	sst lr;
	_ =	strace $0xD0000000  }
0x3: {  	_ = 	snop  }
0x4: {  	_ = 	snop  }
0x5: {  	_ = 	snop  }
0x6: {  	_ = 	snop  }
0x7: {  	_ = 	snop  }
__scs_overlays_trampoline_lowered:
0x8: {  	[smem:$0x3FAE] =	sst s0  }
0x9: {  	[smem:$0x3FAF] =	sst s1  }
0xa: {  	[smem:$0x3FB0] =	sst s2  }
0xb: {  	[smem:$0x3FB1] =	sst s3  }
0xc: {  	[smem:$0x3FB2] =	sst s4  }
0xd: {  	[smem:$0x3FB3] =	sst s5  }
0xe: {  	[smem:$0x3FB4] =	sst s6  }
0xf: {  	[smem:$0x3FB5] =	sst s7  }
0x10: {  	[smem:$0x3FB6] =	sst s8  }
0x11: {  	[smem:$0x3FB7] =	sst s9;
	s0 =	simm.s32 @!p0 $0x0  }
0x12: {  	s1 =	sld [smem:$0x3F9D];
	s0 =	simm.s32 @p0 $0x1  }
0x13: {  	[smem:$0x3FB8] =	sst s0;
	s0 =	simm.s32 @!p1 $0x0  }
0x14: {  	s2 =	sld [smem:$0x3F9C];
	s0 =	simm.s32 @p1 $0x1  }
0x15: {  	[smem:$0x3FB9] =	sst s0;
	s0 =	simm.s32 @!p2 $0x0  }
0x16: {  	s3 =	sld [smem:$0x3FDB];
	s0 =	simm.s32 @p2 $0x1  }
0x17: {  	s4 =	simm.s32 $0x1BF5;
	[smem:$0x3FBB] =	sst s0  }
0x18: {  	s0 =	sld [smem:$0x3F9E];
	_ =	swait.ge [sflag:s4], $0x0  }
0x19: {  	s7 =	sld [smem:$0x3F9F]  }
0x1a: {  	s8 =	sadd.s32 $0xFFFFE003, lr  }
0x1b: {  	s9 =	sadd.s32 $0xFFFFFEF7, lr;
	s5 =	simm.s32 $0xFFFFFFFF;
	p2 =	slt.u32 s8, $0xFFFFF086  }
0x1c: {  	p1 =	slt.u32 s9, $0xF7A;
	s5 =	simm.s32 @!p2 $0x0  }
0x1d: {  	s5 =	simm.s32 @p1 $0x1;
	p0 =	seq.s32 s7, s2  }
0x1e: {  	s7 =	smul.u32 @!p0 $0xF7A, s2;
	p2 =	seq.s32 @!p0 s5, $0x0  }
0x1f: {  	s9 =	smul.u32 $0xF7A, s1;
	s8 =	simm.s32 @!p0 $0x1BF5;
	p2 =	por !p2, p0  }
0x20: {  	[sflag:s8] =	ssyncset.s32 @!p0 $0xFFFFF086;
	s6 =	sadd.s32 @!p0 s3, s7;
	s7 =	simm.s32 @!p0 $0x108  }
0x21: {  	s3 =	sadd.s32 s3, s9;
	s6 =	sadd.s32 @!p0 $0x88, s6;
	s7 =	simm.s32 @p2 $0x1082  }
0x22: {  	[simem:s7], [sflag:s8] =	dma.local @!p0 [hbm:s6], $0xF7A  }
0x23: {  	s9 =	sor.u32 $0xD0000000, s2;
	s6 =	simm.s32 $0x108;
	_ =	swait.ge @!p0 [sflag:s8], $0x0  }
0x24: {  	s3 =	sadd.s32 $0x88, s3;
	s6 =	simm.s32 @!p1 $0x1082;
	[sflag:s4] =	ssyncset.s32 $0xFFFFF086  }
0x25: {  	[simem:s6], [sflag:s4] =	dma.local [hbm:s3], $0xF7A  }
0x26: {  	[smem:$0x3F9F] =	sst s1;
	(tag) =	ssettag s2;
	_ =	strace s9  }
0x27: {  	s1 =	sld [smem:$0x3FAF]  }
0x28: {  	s2 =	sld [smem:$0x3FB0]  }
0x29: {  	s4 =	sld [smem:$0x3FB2]  }
0x2a: {  	p0 =	seq.s32 s5, $0x0;
	s5 =	sld [smem:$0x3FB3]  }
0x2b: {  	s6 =	sld [smem:$0x3FB4]  }
0x2c: {  	s7 =	sld [smem:$0x3FB5]  }
0x2d: {  	s3 =	simm.s32 $0x108;
	s8 =	sld [smem:$0x3FB6]  }
0x2e: {  	s3 =	simm.s32 @!p0 $0x1082;
	s9 =	sld [smem:$0x3FB7]  }
0x2f: {  	lr =	sadd.s32 s0, s3;
	s0 =	sld [smem:$0x3FAE]  }
0x30: {  	s3 =	sld [smem:$0x3FB1]  }
0x31: {  	[smem:$0x3FBA] =	sst s10  }
0x32: {  	s10 =	sld [smem:$0x3FB8];
	_ =	sdelay $0x3  }
0x33: {  	p0 =	seq.s32 s10, $0x1;
	s10 =	sld [smem:$0x3FBA];
	_ =	sdelay $0x3  }
0x34: {  	[smem:$0x3FBA] =	sst s10  }
0x35: {  	s10 =	sld [smem:$0x3FB9];
	_ =	sdelay $0x3  }
0x36: {  	p1 =	seq.s32 s10, $0x1;
	s10 =	sld [smem:$0x3FBA];
	_ =	sdelay $0x3  }
0x37: {  	[smem:$0x3FBA] =	sst s10  }
0x38: {  	s10 =	sld [smem:$0x3FBB]  }
0x39: {  	_ = 	snop;
	(pc) =	sbr.ind lr, $3  }
0x3a: {  	_ = 	snop  }
0x3b: {  	_ = 	snop  }
0x3c: {  	p2 =	seq.s32 s10, $0x1;
	s10 =	sld [smem:$0x3FBA]  }
0x3d: {  	_ =	shalt  }
0x3e: {  	_ =	shalt  }
0x3f: {  	_ =	shalt  }
0x40: {  	_ =	shalt  }
0x41: {  	_ =	shalt  }
0x42: {  	_ =	shalt  }
0x43: {  	_ =	shalt  }
0x44: {  	_ =	shalt  }
0x45: {  	_ =	shalt  }
0x46: {  	_ =	shalt  }
0x47: {  	_ =	shalt  }
0x48: {  	_ =	shalt  }
0x49: {  	_ =	shalt  }
0x4a: {  	_ =	shalt  }
0x4b: {  	_ =	shalt  }
0x4c: {  	_ =	shalt  }
0x4d: {  	_ =	shalt  }
0x4e: {  	_ =	shalt  }
0x4f: {  	_ =	shalt  }
0x50: {  	_ =	shalt  }
0x51: {  	_ =	shalt  }
0x52: {  	_ =	shalt  }
0x53: {  	_ =	shalt  }
0x54: {  	_ =	shalt  }
0x55: {  	_ =	shalt  }
0x56: {  	_ =	shalt  }
0x57: {  	_ =	shalt  }
0x58: {  	_ =	shalt  }
0x59: {  	_ =	shalt  }
0x5a: {  	_ =	shalt  }
0x5b: {  	_ =	shalt  }
0x5c: {  	_ =	shalt  }
0x5d: {  	_ =	shalt  }
0x5e: {  	_ =	shalt  }
0x5f: {  	_ =	shalt  }
0x60: {  	_ =	shalt  }
0x61: {  	_ =	shalt  }
0x62: {  	_ =	shalt  }
0x63: {  	_ =	shalt  }
0x64: {  	_ =	shalt  }
0x65: {  	_ =	shalt  }
0x66: {  	_ =	shalt  }
0x67: {  	_ =	shalt  }
0x68: {  	_ =	shalt  }
0x69: {  	_ =	shalt  }
0x6a: {  	_ =	shalt  }
0x6b: {  	_ =	shalt  }
0x6c: {  	_ =	shalt  }
0x6d: {  	_ =	shalt  }
0x6e: {  	_ =	shalt  }
0x6f: {  	_ =	shalt  }
0x70: {  	_ =	shalt  }
0x71: {  	_ =	shalt  }
0x72: {  	_ =	shalt  }
0x73: {  	_ =	shalt  }
0x74: {  	_ =	shalt  }
0x75: {  	_ =	shalt  }
0x76: {  	_ =	shalt  }
0x77: {  	_ =	shalt  }
0x78: {  	_ =	shalt  }
0x79: {  	_ =	shalt  }
0x7a: {  	_ =	shalt  }
0x7b: {  	_ =	shalt  }
0x7c: {  	_ =	shalt  }
0x7d: {  	_ =	shalt  }
0x7e: {  	_ =	shalt  }
0x7f: {  	_ =	shalt  }
0x80: {  	_ =	shalt  }
0x81: {  	_ =	shalt  }
0x82: {  	_ =	shalt  }
0x83: {  	_ =	shalt  }
0x84: {  	_ =	shalt  }
0x85: {  	_ =	shalt  }
0x86: {  	_ =	shalt  }
0x87: {  	_ =	shalt  }
.Lfunc_end0:
.L_simem_size_0:
called_computation_lowered:
.L_overlay_start_0:
0x88: {  	s2 =	sld [smem:$0x3FD9]  }
0x89: {  	s3 =	sld [smem:$0x3FFE];
	_ =	sdelay $0x1  }
0x8a: {  	s1 =	srdreg.scid  }
0x8b: {  	s0 =	sand.u32 $0x1, s1  }
0x8c: {  	s18 =	sshll.u32 s0, $0xA;
	s2 =	sadd.s32 s3, s2  }
0x8d: {  	s2 =	sadd.s32 s2, s18  }
0x8e: {  	[smem:$0x3FC6] =	sst s2  }
0x8f: {  	_ = 	snop  }
0x90: {  	s2 =	sld [smem:$0x3FC9]  }
0x91: {  	s19 =	sld [smem:$0x3FC8]  }
0x92: {  	s4 =	sld [smem:$0x3FD0];
	(tm) =	ssettm $0x1  }
0x93: {  	s5 =	sld [smem:$0x3FFB];
	_ =	sdelay $0x3  }
0x94: {  	_ =	strace s5  }
0x95: {  	s5 =	sld [smem:$0x3FFC];
	_ =	sdelay $0x3  }
0x96: {  	_ =	strace s5  }
0x97: {  	s5 =	sld [smem:$0x3FFD];
	_ =	sdelay $0x3  }
0x98: {  	_ =	strace s5  }
0x99: {  	_ =	strace $0x8FFFFFFF  }
0x9a: {  	s20 =	sld [smem:$0x3FDB];
	_ =	sdelay $0x1  }
0x9b: {  	s6 =	simm.s32 $_scs_section_size  }
0x9c: {  	s7 =	simm.s32 $_size__tile_overlayer_lowered;
	s8 =	simm.s32 $_tile_overlayer_lowered  }
0x9d: {  	s23 =	simm.s32 $0x1BFF;
	s22 =	sshll.u32 s8, $0x1;
	s5 =	sadd.s32 s6, s20  }
0x9e: {  	s9 =	simm.s32 $0x0;
	s21 =	sshll.u32 s7, $0x1;
	s7 =	sadd.s32 s22, s5  }
0x9f: {  	[timem:s9], [sflag:s23] =	dma.local [hbm:s7], s21  }
0xa0: {  	_ =	swait.ge [sflag:s23], s21  }
0xa1: {  	s6 =	ssub.s32 $0x0, s21;
	[sflag:s23] =	ssyncset.done $0x0  }
0xa2: {  	[sflag:s23] =	ssyncadd.s32 s6;
	_ =	sdelay $0x1  }
0xa3: {  	s24 =	simm.s32 $0x1B8B  }
0xa4: {  	_ =	swait.ge [sflag:s24], $0x1  }
0xa5: {  	[sflag:s24] =	ssyncset.done $0x0  }
0xa6: {  	s25 =	simm.s32 $0x1B8E;
	[sflag:s24] =	ssyncadd.s32 $0xFFFFFFFF  }
0xa7: {  	s26 =	simm.s32 $execute0_lowered;
	[smem:$0x3FD2] =	sst s25  }
0xa8: {  	s6 =	sshll.u32 s26, $0x1;
	_ =	strace $0x80000046;
	[dreg:$0x1] =	wrdreg $0xFFFFFFFF  }
0xa9: {  	s28 =	simm.s32 $_size_execute0_lowered;
	s5 =	sadd.s32 s5, s6;
	[dreg:$0x0] =	wrdreg $0x0  }
0xaa: {  	s6 =	sshll.u32 s28, $0x1;
	[dreg:$0x2] =	wrdreg s5  }
0xab: {  	[dreg:$0x3] =	wrdreg s6  }
0xac: {  	[dreg:$0x4] =	wrdreg $0xC0  }
0xad: {  	_ =	task [dreg:s9], $0x5FFFF  }
0xae: {  	[dreg:$0x1] =	wrdreg $0xFFFFFFFF  }
0xaf: {  	[dreg:$0x0] =	wrdreg $0x60  }
0xb0: {  	[dreg:$0x2] =	wrdreg s19  }
0xb1: {  	[dreg:$0x3] =	wrdreg s2  }
0xb2: {  	[dreg:$0x4] =	wrdreg s4  }
0xb3: {  	[dreg:$0x5] =	wrdreg $0x9  }
0xb4: {  	_ =	task.clear_ibuf [dreg:s9], $0x6FFFF;
	_ =	strace $0x90000046  }
0xb5: {  	s29 =	simm.s32 $0x9;
	_ =	strace $0x80000048  }
0xb6: {  	_ =	swait.ge [sflag:s29], $0x1  }
0xb7: {  	[sflag:s29] =	ssyncadd.s32 $0xFFFFFFFF  }
0xb8: {  	_ =	strace $0x90000048  }
0xb9: {  	_ =	sfence  }
0xba: {  	s30 =	sld [smem:$0x0];
	_ =	sdelay $0x2  }
0xbb: {  	s31 =	sshll.u32 s1, $0xD;
	s1 =	sshrl.u32 s1, $0x2  }
0xbc: {  	s3 =	sand.u32 $0x4000, s31;
	s1 =	sadd.s32 s1, s30  }
0xbd: {  	s0 =	sor.u32 s3, s0;
	s1 =	sshll.u32 s1, $0x11  }
0xbe: {  	s0 =	sor.u32 s1, s0  }
0xbf: {  	s0 =	sadd.s32 $0x8F2B, s0  }
0xc0: {  	[sflag:s0] =	ssyncadd.remote.s32 $0x1  }
0xc1: {  	_ =	sfence.sel $0xFFFF  }
0xc2: {  	[dreg:$0x0] =	wrdreg $0xFFFFFFFF;
	(pc) =	sbr.abs _section_cstart, $3  }
0xc3: {  	[dreg:$0x1] =	wrdreg $0xFFFFFFFF  }
0xc4: {  	_ =	task.clear_ibuf [dreg:s9], $0x2FFFF;
	_ =	strace $0x9FFFFFFF  }
0xc5: {  	(tm) =	ssettm $0x7FFFFFFF  }
tec
execute0_lowered:
.L_overlay_start_1:
0x0: {  	(tag) =	ssettag $0x1  }
0x1: {  	v0 =	vlaneseq.u32;
	v1 =	vimm.s32 $0x1380  }
0x2: {  	vm0 =	vcmask $0x300;
	v2 =	vimm.s32 $0x3380;
	vm1 =	vcmask $0x704  }
0x3: {  	vm15 =	vcmask $0xB08;
	vm4 =	vcmask $0xF0C;
	vm5 =	vcmask $0x1310  }
0x4: {  	vm6 =	vcmask $0x1714;
	vm7 =	vcmask $0x1B18;
	vm8 =	vcmask $0x1F1C  }
0x5: {  	vm9 =	vcmask $0x2320;
	vm10 =	vcmask $0x2724;
	vm11 =	vcmask $0x2B28  }
0x6: {  	vm12 =	vcmask $0x2F2C;
	vm13 =	vcmask $0x3330;
	v1 =	vsel vm0, $0x0, v1  }
0x7: {  	v0 =	vmul.u32 $0x80, v0;
	v2 =	vsel vm0, $0x2000, v2;
	v1 =	vsel vm1, $0x80, v1  }
0x8: {  	vm14 =	vcmask $0x3734;
	v2 =	vsel vm1, $0x2080, v2;
	v1 =	vsel vm15, $0x100, v1  }
0x9: {  	v2 =	vsel vm15, $0x2100, v2;
	vm15 =	vcmask $0x3B38;
	v5 =	vor.u32 $0x1800, v0  }
0xa: {  	v6 =	vor.u32 $0x2000, v0;
	v7 =	vor.u32 $0x2800, v0;
	v8 =	vor.u32 $0x3000, v0  }
0xb: {  	v9 =	vor.u32 $0x3800, v0;
	v10 =	vor.u32 $0x4000, v0;
	v11 =	vor.u32 $0x4800, v0  }
0xc: {  	v12 =	vor.u32 $0x5000, v0;
	v13 =	vor.u32 $0x5800, v0;
	v14 =	vor.u32 $0x6000, v0  }
0xd: {  	s0 =	rddreg [dreg:$0x0];
	v15 =	vor.u32 $0x6800, v0;
	v16 =	vor.u32 $0x7000, v0;
	v17 =	vor.u32 $0x7800, v0  }
0xe: {  	s1 =	rddreg [dreg:$0x1];
	v18 =	vor.u32 $0x8000, v0;
	v19 =	vor.u32 $0x8800, v0;
	v20 =	vor.u32 $0x9000, v0  }
0xf: {  	s2 =	rddreg [dreg:$0x2];
	s3 =	srdreg.scid;
	s6 =	simm.s32 $0x0;
	v21 =	vor.u32 $0x9800, v0;
	v22 =	vor.u32 $0xA000, v0;
	v23 =	vor.u32 $0xA800, v0  }
0x10: {  	s5 =	stileid.u32;
	s7 =	simm.s32 $0x2;
	s9 =	simm.s32 $0x7A1400;
	v24 =	vor.u32 $0xB000, v0;
	v1 =	vsel vm4, $0x180, v1;
	v2 =	vsel vm4, $0x2180, v2  }
0x11: {  	s8 =	simm.s32 $0x400;
	s10 =	simm.s32 $0x280;
	s14 =	simm.s32 $0x4280;
	v25 =	vor.u32 $0xB800, v0;
	v1 =	vsel vm5, $0x200, v1;
	v2 =	vsel vm5, $0x2200, v2  }
0x12: {  	s15 =	simm.s32 $0x5280;
	s16 =	simm.s32 $0x6280;
	s17 =	simm.s32 $0x7280;
	v26 =	vor.u32 $0xC000, v0;
	v1 =	vsel vm6, $0x280, v1;
	v2 =	vsel vm6, $0x2280, v2  }
0x13: {  	s18 =	simm.s32 $0x8280;
	s19 =	simm.s32 $0x9280;
	s20 =	simm.s32 $0xA280;
	v27 =	vor.u32 $0xC800, v0;
	v1 =	vsel vm7, $0x300, v1;
	v2 =	vsel vm7, $0x2300, v2  }
0x14: {  	s21 =	simm.s32 $0xB280;
	s22 =	simm.s32 $0xC280;
	s23 =	simm.s32 $0xD280;
	v28 =	vor.u32 $0xD000, v0;
	v1 =	vsel vm8, $0x380, v1;
	v2 =	vsel vm8, $0x2380, v2  }
0x15: {  	s24 =	simm.s32 $0xE280;
	s28 =	simm.s32 $0x10280;
	s29 =	simm.s32 $0x1000;
	v29 =	vor.u32 $0xD800, v0;
	v1 =	vsel vm9, $0x1000, v1;
	v2 =	vsel vm9, $0x3000, v2  }
0x16: {  	s30 =	simm.s32 $0x20000;
	s31 =	simm.s32 $0x0;
	s3 =	sand.u32 $0x1, s3;
	v30 =	vor.u32 $0xE000, v0;
	v1 =	vsel vm10, $0x1080, v1;
	v2 =	vsel vm10, $0x3080, v2  }
.Ltmp0:
0x17: {  	s5 =	sshll.u32 s5, $0xA;
	s4 =	ssub.s32 $0x2, s3;
	v31 =	vor.u32 $0xE800, v0;
	v1 =	vsel vm11, $0x1100, v1;
	v2 =	vsel vm11, $0x3100, v2;
	(pc) =	sbr.rel .LBB2_1-.Ltmp0, $4  }
0x18: {  	[smem:$0x7FF] =	sst s6;
	s3 =	sshll.u32 s3, $0x9;
	s25 =	sshrl.u32 s4, $0x1;
	v32 =	vor.u32 $0xF000, v0;
	v1 =	vsel vm12, $0x1180, v1;
	v2 =	vsel vm12, $0x3180, v2  }
0x19: {  	_ =	strace $0x80000047;
	s3 =	sor.u32 s3, s5;
	v33 =	vor.u32 $0xF800, v0;
	s6 =	ssub.s32 s4, s25;
	v1 =	vsel vm13, $0x1200, v1;
	v2 =	vsel vm13, $0x3200, v2  }
0x1a: {  	s26 =	sshrl.u32 s3, $0x3;
	s5 =	sadd.s32 s2, s3;
	s25 =	simm.s32 $0xF280;
	v3 =	vsel vm14, $0x1280, v1;
	v4 =	vsel vm14, $0x3280, v2;
	v1 =	vor.u32 $0x800, v0  }
0x1b: {  	s4 =	sadd.s32 s1, s26;
	s6 =	smax.u32 s6, $0x1;
	s26 =	simm.s32 $0x1;
	v2 =	vsel vm15, $0x1300, v3;
	v3 =	vsel vm15, $0x3300, v4;
	v4 =	vor.u32 $0x1000, v0  }
.LBB2_4:
0x1c: {  	s31 =	sadd.s32 $0x1, s31  }
0x1d: {  	p0 =	sne.s32 s31, s6  }
.Ltmp1:
0x1e: {  	_ = 	snop;
	(pc) =	sbr.rel @!p0 .LBB2_5-.Ltmp1, $4  }
0x1f: {  	[hbm4b:s5+s29] =	stream.strided.scatter [tilespmem:s28], [sflag:$0x2], $0x4000, s30, s29, $0x38;
	[tilespmem:$0x14280] =	vst v63  }
0x20: {  	_ =	swait.ge [sflag:s7], $0x4000  }
0x21: {  	[sflag:s7] =	ssyncset.done $0x0  }
0x22: {  	[sflag:s7] =	ssyncadd.s32 $0xFFFFC000  }
.LBB2_1:
0x23: {  	s1 =	simm.s32 $0x0  }
0x24: {  	[tilespmem:s1], [sflag:$0x2] =	stream.linear.gather [hbm4b:s4+s1], $0x200, $0x38;
	[tilespmem:$0x14280] =	vst v63  }
0x25: {  	_ =	swait.ge [sflag:s7], $0x200  }
0x26: {  	[sflag:s7] =	ssyncset.done $0x0  }
0x27: {  	[sflag:s7] =	ssyncadd.s32 $0xFFFFFE00  }
0x28: {  	v34 =	vld [tilespmem:$0x0];
	_ =	sdelay $0x4  }
0x29: {  	(v2sf) =	vpush v34, $0x0;
	_ =	sdelay $0xe  }
0x2a: {  	s3 =	spop (v2sf)  }
0x2b: {  	s1 =	sand.u32 $0xFFFFF80, s3  }
0x2c: {  	s1 =	sadd.s32 s0, s1  }
0x2d: {  	[tilespmem:s10], [sflag:$0x1] =	stream.strided.gather [hbm4b:s1+s8], $0x1000, s9, s8, $0x38;
	[tilespmem:$0x14280] =	vst v63  }
0x2e: {  	v49 =	vld [tilespmem:$0x1];
	_ =	sdelay $0x4  }
0x2f: {  	(v2sf) =	vpush v49, $0x0;
	_ =	sdelay $0xe  }
0x30: {  	s11 =	spop (v2sf)  }
0x31: {  	s1 =	sand.u32 $0xFFFFF80, s11  }
0x32: {  	s2 =	simm.s32 $0x1280;
	s1 =	sadd.s32 s0, s1  }
0x33: {  	[tilespmem:s2], [sflag:$0x1] =	stream.strided.gather [hbm4b:s1+s8], $0x1000, s9, s8, $0x38;
	[tilespmem:$0x14280] =	vst v63  }
0x34: {  	v50 =	vld [tilespmem:$0x2];
	_ =	sdelay $0x4  }
0x35: {  	(v2sf) =	vpush v50, $0x0;
	_ =	sdelay $0xe  }
0x36: {  	s12 =	spop (v2sf)  }
0x37: {  	s1 =	sand.u32 $0xFFFFF80, s12  }
0x38: {  	s13 =	simm.s32 $0x2280;
	s1 =	sadd.s32 s0, s1  }
0x39: {  	[tilespmem:s13], [sflag:$0x1] =	stream.strided.gather [hbm4b:s1+s8], $0x1000, s9, s8, $0x38;
	[tilespmem:$0x14280] =	vst v63  }
0x3a: {  	v51 =	vld [tilespmem:$0x3];
	_ =	sdelay $0x4  }
0x3b: {  	(v2sf) =	vpush v51, $0x0;
	_ =	sdelay $0xe  }
0x3c: {  	s3 =	spop (v2sf)  }
0x3d: {  	s1 =	sand.u32 $0xFFFFF80, s3  }
0x3e: {  	s11 =	simm.s32 $0x3280;
	s1 =	sadd.s32 s0, s1  }
0x3f: {  	[tilespmem:s11], [sflag:$0x1] =	stream.strided.gather [hbm4b:s1+s8], $0x1000, s9, s8, $0x38;
	[tilespmem:$0x14280] =	vst v63  }
0x40: {  	v52 =	vld [tilespmem:$0x4];
	_ =	sdelay $0x4  }
0x41: {  	(v2sf) =	vpush v52, $0x0;
	_ =	sdelay $0xe  }
0x42: {  	s12 =	spop (v2sf)  }
0x43: {  	s1 =	sand.u32 $0xFFFFF80, s12  }
0x44: {  	s1 =	sadd.s32 s0, s1  }
0x45: {  	[tilespmem:s14], [sflag:$0x1] =	stream.strided.gather [hbm4b:s1+s8], $0x1000, s9, s8, $0x38;
	[tilespmem:$0x14280] =	vst v63  }
0x46: {  	v53 =	vld [tilespmem:$0x5];
	_ =	sdelay $0x4  }
0x47: {  	(v2sf) =	vpush v53, $0x0;
	_ =	sdelay $0xe  }
0x48: {  	s13 =	spop (v2sf)  }
0x49: {  	s1 =	sand.u32 $0xFFFFF80, s13  }
0x4a: {  	s1 =	sadd.s32 s0, s1  }
0x4b: {  	[tilespmem:s15], [sflag:$0x1] =	stream.strided.gather [hbm4b:s1+s8], $0x1000, s9, s8, $0x38;
	[tilespmem:$0x14280] =	vst v63  }
0x4c: {  	v54 =	vld [tilespmem:$0x6];
	_ =	sdelay $0x4  }
0x4d: {  	(v2sf) =	vpush v54, $0x0;
	_ =	sdelay $0xe  }
0x4e: {  	s2 =	spop (v2sf)  }
0x4f: {  	s1 =	sand.u32 $0xFFFFF80, s2  }
0x50: {  	s1 =	sadd.s32 s0, s1  }
0x51: {  	[tilespmem:s16], [sflag:$0x1] =	stream.strided.gather [hbm4b:s1+s8], $0x1000, s9, s8, $0x38;
	[tilespmem:$0x14280] =	vst v63  }
0x52: {  	v55 =	vld [tilespmem:$0x7];
	_ =	sdelay $0x4  }
0x53: {  	(v2sf) =	vpush v55, $0x0;
	_ =	sdelay $0xe  }
0x54: {  	s3 =	spop (v2sf)  }
0x55: {  	s1 =	sand.u32 $0xFFFFF80, s3  }
0x56: {  	s1 =	sadd.s32 s0, s1  }
0x57: {  	[tilespmem:s17], [sflag:$0x1] =	stream.strided.gather [hbm4b:s1+s8], $0x1000, s9, s8, $0x38;
	[tilespmem:$0x14280] =	vst v63  }
0x58: {  	v56 =	vld [tilespmem:$0x8];
	_ =	sdelay $0x4  }
0x59: {  	(v2sf) =	vpush v56, $0x0;
	_ =	sdelay $0xe  }
0x5a: {  	s11 =	spop (v2sf)  }
0x5b: {  	s1 =	sand.u32 $0xFFFFF80, s11  }
0x5c: {  	s1 =	sadd.s32 s0, s1  }
0x5d: {  	[tilespmem:s18], [sflag:$0x1] =	stream.strided.gather [hbm4b:s1+s8], $0x1000, s9, s8, $0x38;
	[tilespmem:$0x14280] =	vst v63  }
0x5e: {  	v57 =	vld [tilespmem:$0x9];
	_ =	sdelay $0x4  }
0x5f: {  	(v2sf) =	vpush v57, $0x0;
	_ =	sdelay $0xe  }
0x60: {  	s12 =	spop (v2sf)  }
0x61: {  	s1 =	sand.u32 $0xFFFFF80, s12  }
0x62: {  	s1 =	sadd.s32 s0, s1  }
0x63: {  	[tilespmem:s19], [sflag:$0x1] =	stream.strided.gather [hbm4b:s1+s8], $0x1000, s9, s8, $0x38;
	[tilespmem:$0x14280] =	vst v63  }
0x64: {  	v58 =	vld [tilespmem:$0xA];
	_ =	sdelay $0x4  }
0x65: {  	(v2sf) =	vpush v58, $0x0;
	_ =	sdelay $0xe  }
0x66: {  	s13 =	spop (v2sf)  }
0x67: {  	s1 =	sand.u32 $0xFFFFF80, s13  }
0x68: {  	s1 =	sadd.s32 s0, s1  }
0x69: {  	[tilespmem:s20], [sflag:$0x1] =	stream.strided.gather [hbm4b:s1+s8], $0x1000, s9, s8, $0x38;
	[tilespmem:$0x14280] =	vst v63  }
0x6a: {  	v59 =	vld [tilespmem:$0xB];
	_ =	sdelay $0x4  }
0x6b: {  	(v2sf) =	vpush v59, $0x0;
	_ =	sdelay $0xe  }
0x6c: {  	s2 =	spop (v2sf)  }
0x6d: {  	s1 =	sand.u32 $0xFFFFF80, s2  }
0x6e: {  	s1 =	sadd.s32 s0, s1  }
0x6f: {  	[tilespmem:s21], [sflag:$0x1] =	stream.strided.gather [hbm4b:s1+s8], $0x1000, s9, s8, $0x38;
	[tilespmem:$0x14280] =	vst v63  }
0x70: {  	v60 =	vld [tilespmem:$0xC];
	_ =	sdelay $0x4  }
0x71: {  	(v2sf) =	vpush v60, $0x0;
	_ =	sdelay $0xe  }
0x72: {  	s3 =	spop (v2sf)  }
0x73: {  	s1 =	sand.u32 $0xFFFFF80, s3  }
0x74: {  	s1 =	sadd.s32 s0, s1  }
0x75: {  	[tilespmem:s22], [sflag:$0x1] =	stream.strided.gather [hbm4b:s1+s8], $0x1000, s9, s8, $0x38;
	[tilespmem:$0x14280] =	vst v63  }
0x76: {  	v61 =	vld [tilespmem:$0xD];
	_ =	sdelay $0x4  }
0x77: {  	(v2sf) =	vpush v61, $0x0;
	_ =	sdelay $0xe  }
0x78: {  	s11 =	spop (v2sf)  }
0x79: {  	s1 =	sand.u32 $0xFFFFF80, s11  }
0x7a: {  	s1 =	sadd.s32 s0, s1  }
0x7b: {  	[tilespmem:s23], [sflag:$0x1] =	stream.strided.gather [hbm4b:s1+s8], $0x1000, s9, s8, $0x38;
	[tilespmem:$0x14280] =	vst v63  }
0x7c: {  	v62 =	vld [tilespmem:$0xE];
	_ =	sdelay $0x4  }
0x7d: {  	(v2sf) =	vpush v62, $0x0;
	_ =	sdelay $0xe  }
0x7e: {  	s12 =	spop (v2sf)  }
0x7f: {  	s1 =	sand.u32 $0xFFFFF80, s12  }
0x80: {  	s1 =	sadd.s32 s0, s1  }
0x81: {  	[tilespmem:s24], [sflag:$0x1] =	stream.strided.gather [hbm4b:s1+s8], $0x1000, s9, s8, $0x38;
	[tilespmem:$0x14280] =	vst v63  }
0x82: {  	v63 =	vld [tilespmem:$0xF];
	_ =	sdelay $0x4  }
0x83: {  	(v2sf) =	vpush v63, $0x0;
	_ =	sdelay $0xe  }
0x84: {  	s13 =	spop (v2sf)  }
0x85: {  	s1 =	sand.u32 $0xFFFFF80, s13  }
0x86: {  	s1 =	sadd.s32 s0, s1  }
0x87: {  	[tilespmem:s25], [sflag:$0x1] =	stream.strided.gather [hbm4b:s1+s8], $0x1000, s9, s8, $0x38;
	[tilespmem:$0x14280] =	vst v63  }
0x88: {  	s2 =	simm.s32 $0x10;
	s1 =	simm.s32 $0xF  }
.LBB2_2:
0x89: {  	_ =	swait.ge [sflag:s26], $0x1000  }
0x8a: {  	[sflag:s26] =	ssyncset.done $0x0  }
0x8b: {  	[sflag:s26] =	ssyncadd.s32 $0xFFFFF000  }
0x8c: {  	v34 =	vld [tilespmem:s2+$0xFFFFFFF0];
	_ =	sdelay $0x4  }
0x8d: {  	(v2sf) =	vpush v34, $0x0;
	_ =	sdelay $0xe  }
0x8e: {  	s3 =	spop (v2sf)  }
0x8f: {  	s3 =	sand.u32 $0x7F, s3  }
0x90: {  	s11 =	sadd.s32 $0xFFFFFFF1, s1;
	v63 =	vor.u32 s3, v0  }
0x91: {  	v35 =	vmov s11;
	v36 =	vor.u32 s3, v1  }
0x92: {  	v37 =	vshll.u32 v35, $0x3  }
0x93: {  	v35 =	vand.u32 $0x70, v35;
	v37 =	vand.u32 $0xC00, v37  }
0x94: {  	v35 =	vor.u32 v35, v37  }
0x95: {  	v37 =	vor.u32 v2, v35;
	v34 =	vld.idx.msk [tilespmem:v63+s10+$0x0], $0xffff  }
0x96: {  	v35 =	vor.u32 v3, v35;
	v36 =	vld.idx.msk [tilespmem:v36+s10+$0x0], $0xffff;
	_ =	sdelay $0x3  }
0x97: {  	[tilespmem:v37+s28+$0x0] =	vst.idx.msk $0xffff, v34  }
0x98: {  	p0 =	seq.s32 s1, $0x1FF;
	[tilespmem:v35+s28+$0x0] =	vst.idx.msk $0xffff, v36  }
0x99: {  	v34 =	vld @!p0 [tilespmem:s2+$0x0];
	_ =	sdelay $0x4  }
0x9a: {  	(v2sf) =	vpush @!p0 v34, $0x0;
	_ =	sdelay $0xe  }
0x9b: {  	s3 =	spop @!p0 (v2sf)  }
0x9c: {  	s11 =	simm.s32 @!p0 $0x7A1400;
	s3 =	sand.u32 @!p0 $0xFFFFF80, s3  }
0x9d: {  	s13 =	simm.s32 @!p0 $0x280;
	s12 =	sadd.s32 @!p0 s0, s3;
	s3 =	simm.s32 @!p0 $0x400  }
0x9e: {  	[tilespmem:s13], [sflag:$0x1] =	stream.strided.gather @!p0 [hbm4b:s12+s3], $0x1000, s11, s3, $0x38;
	[tilespmem:$0x14280] =	vst v63  }
0x9f: {  	_ =	swait.ge [sflag:s26], $0x1000  }
0xa0: {  	[sflag:s26] =	ssyncset.done $0x0  }
0xa1: {  	[sflag:s26] =	ssyncadd.s32 $0xFFFFF000  }
0xa2: {  	v39 =	vld [tilespmem:s2+$0xFFFFFFF1];
	_ =	sdelay $0x4  }
0xa3: {  	(v2sf) =	vpush v39, $0x0;
	_ =	sdelay $0xe  }
0xa4: {  	s13 =	spop (v2sf)  }
0xa5: {  	s12 =	sand.u32 $0x7F, s13  }
0xa6: {  	s13 =	sadd.s32 $0xFFFFFFF2, s1;
	v40 =	vor.u32 s12, v4  }
0xa7: {  	v41 =	vmov s13;
	v42 =	vor.u32 s12, v5  }
0xa8: {  	v43 =	vshll.u32 v41, $0x3  }
0xa9: {  	v35 =	vand.u32 $0x71, v41;
	v37 =	vand.u32 $0xC00, v43  }
0xaa: {  	v35 =	vor.u32 v35, v37  }
0xab: {  	v37 =	vor.u32 v2, v35;
	v34 =	vld.idx.msk [tilespmem:v40+s10+$0x0], $0xffff  }
0xac: {  	v35 =	vor.u32 v3, v35;
	v36 =	vld.idx.msk [tilespmem:v42+s10+$0x0], $0xffff;
	_ =	sdelay $0x3  }
0xad: {  	[tilespmem:v37+s28+$0x0] =	vst.idx.msk $0xffff, v34  }
0xae: {  	[tilespmem:v35+s28+$0x0] =	vst.idx.msk $0xffff, v36  }
0xaf: {  	v34 =	vld @!p0 [tilespmem:s2+$0x1];
	_ =	sdelay $0x4  }
0xb0: {  	(v2sf) =	vpush @!p0 v34, $0x0;
	_ =	sdelay $0xe  }
0xb1: {  	s12 =	spop @!p0 (v2sf)  }
0xb2: {  	s12 =	sand.u32 @!p0 $0xFFFFF80, s12  }
0xb3: {  	s13 =	simm.s32 @!p0 $0x1280;
	s12 =	sadd.s32 @!p0 s0, s12  }
0xb4: {  	[tilespmem:s13], [sflag:$0x1] =	stream.strided.gather @!p0 [hbm4b:s12+s3], $0x1000, s11, s3, $0x38;
	[tilespmem:$0x14280] =	vst v63  }
0xb5: {  	_ =	swait.ge [sflag:s26], $0x1000  }
0xb6: {  	[sflag:s26] =	ssyncset.done $0x0  }
0xb7: {  	[sflag:s26] =	ssyncadd.s32 $0xFFFFF000  }
0xb8: {  	v44 =	vld [tilespmem:s2+$0xFFFFFFF2];
	_ =	sdelay $0x4  }
0xb9: {  	(v2sf) =	vpush v44, $0x0;
	_ =	sdelay $0xe  }
0xba: {  	s13 =	spop (v2sf)  }
0xbb: {  	s12 =	sand.u32 $0x7F, s13  }
0xbc: {  	s13 =	sadd.s32 $0xFFFFFFF3, s1;
	v45 =	vor.u32 s12, v6  }
0xbd: {  	v46 =	vmov s13;
	v47 =	vor.u32 s12, v7  }
0xbe: {  	v48 =	vshll.u32 v46, $0x3  }
0xbf: {  	v35 =	vand.u32 $0x72, v46;
	v37 =	vand.u32 $0xC00, v48  }
0xc0: {  	v35 =	vor.u32 v35, v37  }
0xc1: {  	v37 =	vor.u32 v2, v35;
	v34 =	vld.idx.msk [tilespmem:v45+s10+$0x0], $0xffff  }
0xc2: {  	v35 =	vor.u32 v3, v35;
	v36 =	vld.idx.msk [tilespmem:v47+s10+$0x0], $0xffff;
	_ =	sdelay $0x3  }
0xc3: {  	[tilespmem:v37+s28+$0x0] =	vst.idx.msk $0xffff, v34  }
0xc4: {  	[tilespmem:v35+s28+$0x0] =	vst.idx.msk $0xffff, v36  }
0xc5: {  	v34 =	vld @!p0 [tilespmem:s2+$0x2];
	_ =	sdelay $0x4  }
0xc6: {  	(v2sf) =	vpush @!p0 v34, $0x0;
	_ =	sdelay $0xe  }
0xc7: {  	s12 =	spop @!p0 (v2sf)  }
0xc8: {  	s12 =	sand.u32 @!p0 $0xFFFFF80, s12  }
0xc9: {  	s13 =	simm.s32 @!p0 $0x2280;
	s12 =	sadd.s32 @!p0 s0, s12  }
0xca: {  	[tilespmem:s13], [sflag:$0x1] =	stream.strided.gather @!p0 [hbm4b:s12+s3], $0x1000, s11, s3, $0x38;
	[tilespmem:$0x14280] =	vst v63  }
0xcb: {  	_ =	swait.ge [sflag:s26], $0x1000  }
0xcc: {  	[sflag:s26] =	ssyncset.done $0x0  }
0xcd: {  	[sflag:s26] =	ssyncadd.s32 $0xFFFFF000  }
0xce: {  	v49 =	vld [tilespmem:s2+$0xFFFFFFF3];
	_ =	sdelay $0x4  }
0xcf: {  	(v2sf) =	vpush v49, $0x0;
	_ =	sdelay $0xe  }
0xd0: {  	s13 =	spop (v2sf)  }
0xd1: {  	s12 =	sand.u32 $0x7F, s13  }
0xd2: {  	s13 =	sadd.s32 $0xFFFFFFF4, s1;
	v50 =	vor.u32 s12, v8  }
0xd3: {  	v51 =	vmov s13;
	v52 =	vor.u32 s12, v9  }
0xd4: {  	v53 =	vshll.u32 v51, $0x3  }
0xd5: {  	v35 =	vand.u32 $0x73, v51;
	v37 =	vand.u32 $0xC00, v53  }
0xd6: {  	v35 =	vor.u32 v35, v37  }
0xd7: {  	v37 =	vor.u32 v2, v35;
	v34 =	vld.idx.msk [tilespmem:v50+s10+$0x0], $0xffff  }
0xd8: {  	v35 =	vor.u32 v3, v35;
	v36 =	vld.idx.msk [tilespmem:v52+s10+$0x0], $0xffff;
	_ =	sdelay $0x3  }
0xd9: {  	[tilespmem:v37+s28+$0x0] =	vst.idx.msk $0xffff, v34  }
0xda: {  	[tilespmem:v35+s28+$0x0] =	vst.idx.msk $0xffff, v36  }
0xdb: {  	v34 =	vld @!p0 [tilespmem:s2+$0x3];
	_ =	sdelay $0x4  }
0xdc: {  	(v2sf) =	vpush @!p0 v34, $0x0;
	_ =	sdelay $0xe  }
0xdd: {  	s12 =	spop @!p0 (v2sf)  }
0xde: {  	s12 =	sand.u32 @!p0 $0xFFFFF80, s12  }
0xdf: {  	s13 =	simm.s32 @!p0 $0x3280;
	s12 =	sadd.s32 @!p0 s0, s12  }
0xe0: {  	[tilespmem:s13], [sflag:$0x1] =	stream.strided.gather @!p0 [hbm4b:s12+s3], $0x1000, s11, s3, $0x38;
	[tilespmem:$0x14280] =	vst v63  }
0xe1: {  	_ =	swait.ge [sflag:s26], $0x1000  }
0xe2: {  	[sflag:s26] =	ssyncset.done $0x0  }
0xe3: {  	[sflag:s26] =	ssyncadd.s32 $0xFFFFF000  }
0xe4: {  	v54 =	vld [tilespmem:s2+$0xFFFFFFF4];
	_ =	sdelay $0x4  }
0xe5: {  	(v2sf) =	vpush v54, $0x0;
	_ =	sdelay $0xe  }
0xe6: {  	s13 =	spop (v2sf)  }
0xe7: {  	s12 =	sand.u32 $0x7F, s13  }
0xe8: {  	s13 =	sadd.s32 $0xFFFFFFF5, s1;
	v55 =	vor.u32 s12, v10  }
0xe9: {  	v56 =	vmov s13;
	v57 =	vor.u32 s12, v11  }
0xea: {  	v58 =	vshll.u32 v56, $0x3  }
0xeb: {  	v35 =	vand.u32 $0x74, v56;
	v37 =	vand.u32 $0xC00, v58  }
0xec: {  	v35 =	vor.u32 v35, v37  }
0xed: {  	v37 =	vor.u32 v2, v35;
	v34 =	vld.idx.msk [tilespmem:v55+s10+$0x0], $0xffff  }
0xee: {  	v35 =	vor.u32 v3, v35;
	v36 =	vld.idx.msk [tilespmem:v57+s10+$0x0], $0xffff;
	_ =	sdelay $0x3  }
0xef: {  	[tilespmem:v37+s28+$0x0] =	vst.idx.msk $0xffff, v34  }
0xf0: {  	[tilespmem:v35+s28+$0x0] =	vst.idx.msk $0xffff, v36  }
0xf1: {  	v34 =	vld @!p0 [tilespmem:s2+$0x4];
	_ =	sdelay $0x4  }
0xf2: {  	(v2sf) =	vpush @!p0 v34, $0x0;
	_ =	sdelay $0xe  }
0xf3: {  	s12 =	spop @!p0 (v2sf)  }
0xf4: {  	s12 =	sand.u32 @!p0 $0xFFFFF80, s12  }
0xf5: {  	s13 =	simm.s32 @!p0 $0x4280;
	s12 =	sadd.s32 @!p0 s0, s12  }
0xf6: {  	[tilespmem:s13], [sflag:$0x1] =	stream.strided.gather @!p0 [hbm4b:s12+s3], $0x1000, s11, s3, $0x38;
	[tilespmem:$0x14280] =	vst v63  }
0xf7: {  	_ =	swait.ge [sflag:s26], $0x1000  }
0xf8: {  	[sflag:s26] =	ssyncset.done $0x0  }
0xf9: {  	[sflag:s26] =	ssyncadd.s32 $0xFFFFF000  }
0xfa: {  	v59 =	vld [tilespmem:s2+$0xFFFFFFF5];
	_ =	sdelay $0x4  }
0xfb: {  	(v2sf) =	vpush v59, $0x0;
	_ =	sdelay $0xe  }
0xfc: {  	s13 =	spop (v2sf)  }
0xfd: {  	s12 =	sand.u32 $0x7F, s13  }
0xfe: {  	s13 =	sadd.s32 $0xFFFFFFF6, s1;
	v60 =	vor.u32 s12, v12  }
0xff: {  	v61 =	vmov s13;
	v62 =	vor.u32 s12, v13  }
0x100: {  	v63 =	vshll.u32 v61, $0x3  }
0x101: {  	v35 =	vand.u32 $0x75, v61;
	v37 =	vand.u32 $0xC00, v63  }
0x102: {  	v35 =	vor.u32 v35, v37  }
0x103: {  	v37 =	vor.u32 v2, v35;
	v34 =	vld.idx.msk [tilespmem:v60+s10+$0x0], $0xffff  }
0x104: {  	v35 =	vor.u32 v3, v35;
	v36 =	vld.idx.msk [tilespmem:v62+s10+$0x0], $0xffff;
	_ =	sdelay $0x3  }
0x105: {  	[tilespmem:v37+s28+$0x0] =	vst.idx.msk $0xffff, v34  }
0x106: {  	[tilespmem:v35+s28+$0x0] =	vst.idx.msk $0xffff, v36  }
0x107: {  	v34 =	vld @!p0 [tilespmem:s2+$0x5];
	_ =	sdelay $0x4  }
0x108: {  	(v2sf) =	vpush @!p0 v34, $0x0;
	_ =	sdelay $0xe  }
0x109: {  	s12 =	spop @!p0 (v2sf)  }
0x10a: {  	s12 =	sand.u32 @!p0 $0xFFFFF80, s12  }
0x10b: {  	s13 =	simm.s32 @!p0 $0x5280;
	s12 =	sadd.s32 @!p0 s0, s12  }
0x10c: {  	[tilespmem:s13], [sflag:$0x1] =	stream.strided.gather @!p0 [hbm4b:s12+s3], $0x1000, s11, s3, $0x38;
	[tilespmem:$0x14280] =	vst v63  }
0x10d: {  	_ =	swait.ge [sflag:s26], $0x1000  }
0x10e: {  	[sflag:s26] =	ssyncset.done $0x0  }
0x10f: {  	[sflag:s26] =	ssyncadd.s32 $0xFFFFF000  }
0x110: {  	v39 =	vld [tilespmem:s2+$0xFFFFFFF6];
	_ =	sdelay $0x4  }
0x111: {  	(v2sf) =	vpush v39, $0x0;
	_ =	sdelay $0xe  }
0x112: {  	s13 =	spop (v2sf)  }
0x113: {  	s12 =	sand.u32 $0x7F, s13  }
0x114: {  	s13 =	sadd.s32 $0xFFFFFFF7, s1;
	v40 =	vor.u32 s12, v14  }
0x115: {  	v41 =	vmov s13;
	v42 =	vor.u32 s12, v15  }
0x116: {  	v43 =	vshll.u32 v41, $0x3  }
0x117: {  	v35 =	vand.u32 $0x76, v41;
	v37 =	vand.u32 $0xC00, v43  }
0x118: {  	v35 =	vor.u32 v35, v37  }
0x119: {  	v37 =	vor.u32 v2, v35;
	v34 =	vld.idx.msk [tilespmem:v40+s10+$0x0], $0xffff  }
0x11a: {  	v35 =	vor.u32 v3, v35;
	v36 =	vld.idx.msk [tilespmem:v42+s10+$0x0], $0xffff;
	_ =	sdelay $0x3  }
0x11b: {  	[tilespmem:v37+s28+$0x0] =	vst.idx.msk $0xffff, v34  }
0x11c: {  	[tilespmem:v35+s28+$0x0] =	vst.idx.msk $0xffff, v36  }
0x11d: {  	v34 =	vld @!p0 [tilespmem:s2+$0x6];
	_ =	sdelay $0x4  }
0x11e: {  	(v2sf) =	vpush @!p0 v34, $0x0;
	_ =	sdelay $0xe  }
0x11f: {  	s12 =	spop @!p0 (v2sf)  }
0x120: {  	s12 =	sand.u32 @!p0 $0xFFFFF80, s12  }
0x121: {  	s13 =	simm.s32 @!p0 $0x6280;
	s12 =	sadd.s32 @!p0 s0, s12  }
0x122: {  	[tilespmem:s13], [sflag:$0x1] =	stream.strided.gather @!p0 [hbm4b:s12+s3], $0x1000, s11, s3, $0x38;
	[tilespmem:$0x14280] =	vst v63  }
0x123: {  	_ =	swait.ge [sflag:s26], $0x1000  }
0x124: {  	[sflag:s26] =	ssyncset.done $0x0  }
0x125: {  	[sflag:s26] =	ssyncadd.s32 $0xFFFFF000  }
0x126: {  	v44 =	vld [tilespmem:s2+$0xFFFFFFF7];
	_ =	sdelay $0x4  }
0x127: {  	(v2sf) =	vpush v44, $0x0;
	_ =	sdelay $0xe  }
0x128: {  	s13 =	spop (v2sf)  }
0x129: {  	s12 =	sand.u32 $0x7F, s13  }
0x12a: {  	s13 =	sadd.s32 $0xFFFFFFF8, s1;
	v45 =	vor.u32 s12, v16  }
0x12b: {  	v46 =	vmov s13;
	v47 =	vor.u32 s12, v17  }
0x12c: {  	v48 =	vshll.u32 v46, $0x3  }
0x12d: {  	v35 =	vand.u32 $0x77, v46;
	v37 =	vand.u32 $0xC00, v48  }
0x12e: {  	v35 =	vor.u32 v35, v37  }
0x12f: {  	v37 =	vor.u32 v2, v35;
	v34 =	vld.idx.msk [tilespmem:v45+s10+$0x0], $0xffff  }
0x130: {  	v35 =	vor.u32 v3, v35;
	v36 =	vld.idx.msk [tilespmem:v47+s10+$0x0], $0xffff;
	_ =	sdelay $0x3  }
0x131: {  	[tilespmem:v37+s28+$0x0] =	vst.idx.msk $0xffff, v34  }
0x132: {  	[tilespmem:v35+s28+$0x0] =	vst.idx.msk $0xffff, v36  }
0x133: {  	v34 =	vld @!p0 [tilespmem:s2+$0x7];
	_ =	sdelay $0x4  }
0x134: {  	(v2sf) =	vpush @!p0 v34, $0x0;
	_ =	sdelay $0xe  }
0x135: {  	s12 =	spop @!p0 (v2sf)  }
0x136: {  	s12 =	sand.u32 @!p0 $0xFFFFF80, s12  }
0x137: {  	s13 =	simm.s32 @!p0 $0x7280;
	s12 =	sadd.s32 @!p0 s0, s12  }
0x138: {  	[tilespmem:s13], [sflag:$0x1] =	stream.strided.gather @!p0 [hbm4b:s12+s3], $0x1000, s11, s3, $0x38;
	[tilespmem:$0x14280] =	vst v63  }
0x139: {  	_ =	swait.ge [sflag:s26], $0x1000  }
0x13a: {  	[sflag:s26] =	ssyncset.done $0x0  }
0x13b: {  	[sflag:s26] =	ssyncadd.s32 $0xFFFFF000  }
0x13c: {  	v49 =	vld [tilespmem:s2+$0xFFFFFFF8];
	_ =	sdelay $0x4  }
0x13d: {  	(v2sf) =	vpush v49, $0x0;
	_ =	sdelay $0xe  }
0x13e: {  	s13 =	spop (v2sf)  }
0x13f: {  	s12 =	sand.u32 $0x7F, s13  }
0x140: {  	s13 =	sadd.s32 $0xFFFFFFF9, s1;
	v50 =	vor.u32 s12, v18  }
0x141: {  	v51 =	vmov s13;
	v52 =	vor.u32 s12, v19  }
0x142: {  	v53 =	vshll.u32 v51, $0x3  }
0x143: {  	v35 =	vand.u32 $0x78, v51;
	v37 =	vand.u32 $0xC00, v53  }
0x144: {  	v35 =	vor.u32 v35, v37  }
0x145: {  	v37 =	vor.u32 v2, v35;
	v34 =	vld.idx.msk [tilespmem:v50+s10+$0x0], $0xffff  }
0x146: {  	v35 =	vor.u32 v3, v35;
	v36 =	vld.idx.msk [tilespmem:v52+s10+$0x0], $0xffff;
	_ =	sdelay $0x3  }
0x147: {  	[tilespmem:v37+s28+$0x0] =	vst.idx.msk $0xffff, v34  }
0x148: {  	[tilespmem:v35+s28+$0x0] =	vst.idx.msk $0xffff, v36  }
0x149: {  	v34 =	vld @!p0 [tilespmem:s2+$0x8];
	_ =	sdelay $0x4  }
0x14a: {  	(v2sf) =	vpush @!p0 v34, $0x0;
	_ =	sdelay $0xe  }
0x14b: {  	s12 =	spop @!p0 (v2sf)  }
0x14c: {  	s12 =	sand.u32 @!p0 $0xFFFFF80, s12  }
0x14d: {  	s13 =	simm.s32 @!p0 $0x8280;
	s12 =	sadd.s32 @!p0 s0, s12  }
0x14e: {  	[tilespmem:s13], [sflag:$0x1] =	stream.strided.gather @!p0 [hbm4b:s12+s3], $0x1000, s11, s3, $0x38;
	[tilespmem:$0x14280] =	vst v63  }
0x14f: {  	_ =	swait.ge [sflag:s26], $0x1000  }
0x150: {  	[sflag:s26] =	ssyncset.done $0x0  }
0x151: {  	[sflag:s26] =	ssyncadd.s32 $0xFFFFF000  }
0x152: {  	v54 =	vld [tilespmem:s2+$0xFFFFFFF9];
	_ =	sdelay $0x4  }
0x153: {  	(v2sf) =	vpush v54, $0x0;
	_ =	sdelay $0xe  }
0x154: {  	s13 =	spop (v2sf)  }
0x155: {  	s12 =	sand.u32 $0x7F, s13  }
0x156: {  	s13 =	sadd.s32 $0xFFFFFFFA, s1;
	v55 =	vor.u32 s12, v20  }
0x157: {  	v56 =	vmov s13;
	v57 =	vor.u32 s12, v21  }
0x158: {  	v58 =	vshll.u32 v56, $0x3  }
0x159: {  	v35 =	vand.u32 $0x79, v56;
	v37 =	vand.u32 $0xC00, v58  }
0x15a: {  	v35 =	vor.u32 v35, v37  }
0x15b: {  	v37 =	vor.u32 v2, v35;
	v34 =	vld.idx.msk [tilespmem:v55+s10+$0x0], $0xffff  }
0x15c: {  	v35 =	vor.u32 v3, v35;
	v36 =	vld.idx.msk [tilespmem:v57+s10+$0x0], $0xffff;
	_ =	sdelay $0x3  }
0x15d: {  	[tilespmem:v37+s28+$0x0] =	vst.idx.msk $0xffff, v34  }
0x15e: {  	[tilespmem:v35+s28+$0x0] =	vst.idx.msk $0xffff, v36  }
0x15f: {  	v34 =	vld @!p0 [tilespmem:s2+$0x9];
	_ =	sdelay $0x4  }
0x160: {  	(v2sf) =	vpush @!p0 v34, $0x0;
	_ =	sdelay $0xe  }
0x161: {  	s12 =	spop @!p0 (v2sf)  }
0x162: {  	s12 =	sand.u32 @!p0 $0xFFFFF80, s12  }
0x163: {  	s13 =	simm.s32 @!p0 $0x9280;
	s12 =	sadd.s32 @!p0 s0, s12  }
0x164: {  	[tilespmem:s13], [sflag:$0x1] =	stream.strided.gather @!p0 [hbm4b:s12+s3], $0x1000, s11, s3, $0x38;
	[tilespmem:$0x14280] =	vst v63  }
0x165: {  	_ =	swait.ge [sflag:s26], $0x1000  }
0x166: {  	[sflag:s26] =	ssyncset.done $0x0  }
0x167: {  	[sflag:s26] =	ssyncadd.s32 $0xFFFFF000  }
0x168: {  	v59 =	vld [tilespmem:s2+$0xFFFFFFFA];
	_ =	sdelay $0x4  }
0x169: {  	(v2sf) =	vpush v59, $0x0;
	_ =	sdelay $0xe  }
0x16a: {  	s13 =	spop (v2sf)  }
0x16b: {  	s12 =	sand.u32 $0x7F, s13  }
0x16c: {  	s13 =	sadd.s32 $0xFFFFFFFB, s1;
	v60 =	vor.u32 s12, v22  }
0x16d: {  	v61 =	vmov s13;
	v62 =	vor.u32 s12, v23  }
0x16e: {  	v63 =	vshll.u32 v61, $0x3  }
0x16f: {  	v35 =	vand.u32 $0x7A, v61;
	v37 =	vand.u32 $0xC00, v63  }
0x170: {  	v35 =	vor.u32 v35, v37  }
0x171: {  	v37 =	vor.u32 v2, v35;
	v34 =	vld.idx.msk [tilespmem:v60+s10+$0x0], $0xffff  }
0x172: {  	v35 =	vor.u32 v3, v35;
	v36 =	vld.idx.msk [tilespmem:v62+s10+$0x0], $0xffff;
	_ =	sdelay $0x3  }
0x173: {  	[tilespmem:v37+s28+$0x0] =	vst.idx.msk $0xffff, v34  }
0x174: {  	[tilespmem:v35+s28+$0x0] =	vst.idx.msk $0xffff, v36  }
0x175: {  	v34 =	vld @!p0 [tilespmem:s2+$0xA];
	_ =	sdelay $0x4  }
0x176: {  	(v2sf) =	vpush @!p0 v34, $0x0;
	_ =	sdelay $0xe  }
0x177: {  	s12 =	spop @!p0 (v2sf)  }
0x178: {  	s12 =	sand.u32 @!p0 $0xFFFFF80, s12  }
0x179: {  	s13 =	simm.s32 @!p0 $0xA280;
	s12 =	sadd.s32 @!p0 s0, s12  }
0x17a: {  	[tilespmem:s13], [sflag:$0x1] =	stream.strided.gather @!p0 [hbm4b:s12+s3], $0x1000, s11, s3, $0x38;
	[tilespmem:$0x14280] =	vst v63  }
0x17b: {  	_ =	swait.ge [sflag:s26], $0x1000  }
0x17c: {  	[sflag:s26] =	ssyncset.done $0x0  }
0x17d: {  	[sflag:s26] =	ssyncadd.s32 $0xFFFFF000  }
0x17e: {  	v39 =	vld [tilespmem:s2+$0xFFFFFFFB];
	_ =	sdelay $0x4  }
0x17f: {  	(v2sf) =	vpush v39, $0x0;
	_ =	sdelay $0xe  }
0x180: {  	s13 =	spop (v2sf)  }
0x181: {  	s12 =	sand.u32 $0x7F, s13  }
0x182: {  	s13 =	sadd.s32 $0xFFFFFFFC, s1;
	v40 =	vor.u32 s12, v24  }
0x183: {  	v41 =	vmov s13;
	v42 =	vor.u32 s12, v25  }
0x184: {  	v43 =	vshll.u32 v41, $0x3  }
0x185: {  	v35 =	vand.u32 $0x7B, v41;
	v37 =	vand.u32 $0xC00, v43  }
0x186: {  	v35 =	vor.u32 v35, v37  }
0x187: {  	v37 =	vor.u32 v2, v35;
	v34 =	vld.idx.msk [tilespmem:v40+s10+$0x0], $0xffff  }
0x188: {  	v35 =	vor.u32 v3, v35;
	v36 =	vld.idx.msk [tilespmem:v42+s10+$0x0], $0xffff;
	_ =	sdelay $0x3  }
0x189: {  	[tilespmem:v37+s28+$0x0] =	vst.idx.msk $0xffff, v34  }
0x18a: {  	[tilespmem:v35+s28+$0x0] =	vst.idx.msk $0xffff, v36  }
0x18b: {  	v34 =	vld @!p0 [tilespmem:s2+$0xB];
	_ =	sdelay $0x4  }
0x18c: {  	(v2sf) =	vpush @!p0 v34, $0x0;
	_ =	sdelay $0xe  }
0x18d: {  	s12 =	spop @!p0 (v2sf)  }
0x18e: {  	s12 =	sand.u32 @!p0 $0xFFFFF80, s12  }
0x18f: {  	s13 =	simm.s32 @!p0 $0xB280;
	s12 =	sadd.s32 @!p0 s0, s12  }
0x190: {  	[tilespmem:s13], [sflag:$0x1] =	stream.strided.gather @!p0 [hbm4b:s12+s3], $0x1000, s11, s3, $0x38;
	[tilespmem:$0x14280] =	vst v63  }
0x191: {  	_ =	swait.ge [sflag:s26], $0x1000  }
0x192: {  	[sflag:s26] =	ssyncset.done $0x0  }
0x193: {  	[sflag:s26] =	ssyncadd.s32 $0xFFFFF000  }
0x194: {  	v44 =	vld [tilespmem:s2+$0xFFFFFFFC];
	_ =	sdelay $0x4  }
0x195: {  	(v2sf) =	vpush v44, $0x0;
	_ =	sdelay $0xe  }
0x196: {  	s13 =	spop (v2sf)  }
0x197: {  	s12 =	sand.u32 $0x7F, s13  }
0x198: {  	s13 =	sadd.s32 $0xFFFFFFFD, s1;
	v45 =	vor.u32 s12, v26  }
0x199: {  	v46 =	vmov s13;
	v47 =	vor.u32 s12, v27  }
0x19a: {  	v48 =	vshll.u32 v46, $0x3  }
0x19b: {  	v35 =	vand.u32 $0x7C, v46;
	v37 =	vand.u32 $0xC00, v48  }
0x19c: {  	v35 =	vor.u32 v35, v37  }
0x19d: {  	v37 =	vor.u32 v2, v35;
	v34 =	vld.idx.msk [tilespmem:v45+s10+$0x0], $0xffff  }
0x19e: {  	v35 =	vor.u32 v3, v35;
	v36 =	vld.idx.msk [tilespmem:v47+s10+$0x0], $0xffff;
	_ =	sdelay $0x3  }
0x19f: {  	[tilespmem:v37+s28+$0x0] =	vst.idx.msk $0xffff, v34  }
0x1a0: {  	[tilespmem:v35+s28+$0x0] =	vst.idx.msk $0xffff, v36  }
0x1a1: {  	v34 =	vld @!p0 [tilespmem:s2+$0xC];
	_ =	sdelay $0x4  }
0x1a2: {  	(v2sf) =	vpush @!p0 v34, $0x0;
	_ =	sdelay $0xe  }
0x1a3: {  	s12 =	spop @!p0 (v2sf)  }
0x1a4: {  	s12 =	sand.u32 @!p0 $0xFFFFF80, s12  }
0x1a5: {  	s13 =	simm.s32 @!p0 $0xC280;
	s12 =	sadd.s32 @!p0 s0, s12  }
0x1a6: {  	[tilespmem:s13], [sflag:$0x1] =	stream.strided.gather @!p0 [hbm4b:s12+s3], $0x1000, s11, s3, $0x38;
	[tilespmem:$0x14280] =	vst v63  }
0x1a7: {  	_ =	swait.ge [sflag:s26], $0x1000  }
0x1a8: {  	[sflag:s26] =	ssyncset.done $0x0  }
0x1a9: {  	[sflag:s26] =	ssyncadd.s32 $0xFFFFF000  }
0x1aa: {  	v49 =	vld [tilespmem:s2+$0xFFFFFFFD];
	_ =	sdelay $0x4  }
0x1ab: {  	(v2sf) =	vpush v49, $0x0;
	_ =	sdelay $0xe  }
0x1ac: {  	s13 =	spop (v2sf)  }
0x1ad: {  	s12 =	sand.u32 $0x7F, s13  }
0x1ae: {  	s13 =	sadd.s32 $0xFFFFFFFE, s1;
	v50 =	vor.u32 s12, v28  }
0x1af: {  	v51 =	vmov s13;
	v52 =	vor.u32 s12, v29  }
0x1b0: {  	v53 =	vshll.u32 v51, $0x3  }
0x1b1: {  	v35 =	vand.u32 $0x7D, v51;
	v37 =	vand.u32 $0xC00, v53  }
0x1b2: {  	v35 =	vor.u32 v35, v37  }
0x1b3: {  	v37 =	vor.u32 v2, v35;
	v34 =	vld.idx.msk [tilespmem:v50+s10+$0x0], $0xffff  }
0x1b4: {  	v35 =	vor.u32 v3, v35;
	v36 =	vld.idx.msk [tilespmem:v52+s10+$0x0], $0xffff;
	_ =	sdelay $0x3  }
0x1b5: {  	[tilespmem:v37+s28+$0x0] =	vst.idx.msk $0xffff, v34  }
0x1b6: {  	[tilespmem:v35+s28+$0x0] =	vst.idx.msk $0xffff, v36  }
0x1b7: {  	v34 =	vld @!p0 [tilespmem:s2+$0xD];
	_ =	sdelay $0x4  }
0x1b8: {  	(v2sf) =	vpush @!p0 v34, $0x0;
	_ =	sdelay $0xe  }
0x1b9: {  	s12 =	spop @!p0 (v2sf)  }
0x1ba: {  	s12 =	sand.u32 @!p0 $0xFFFFF80, s12  }
0x1bb: {  	s13 =	simm.s32 @!p0 $0xD280;
	s12 =	sadd.s32 @!p0 s0, s12  }
0x1bc: {  	[tilespmem:s13], [sflag:$0x1] =	stream.strided.gather @!p0 [hbm4b:s12+s3], $0x1000, s11, s3, $0x38;
	[tilespmem:$0x14280] =	vst v63  }
0x1bd: {  	_ =	swait.ge [sflag:s26], $0x1000  }
0x1be: {  	[sflag:s26] =	ssyncset.done $0x0  }
0x1bf: {  	[sflag:s26] =	ssyncadd.s32 $0xFFFFF000  }
0x1c0: {  	v54 =	vld [tilespmem:s2+$0xFFFFFFFE];
	_ =	sdelay $0x4  }
0x1c1: {  	(v2sf) =	vpush v54, $0x0;
	_ =	sdelay $0xe  }
0x1c2: {  	s13 =	spop (v2sf)  }
0x1c3: {  	s12 =	sand.u32 $0x7F, s13  }
0x1c4: {  	s13 =	sadd.s32 $0xFFFFFFFF, s1;
	v55 =	vor.u32 s12, v30  }
0x1c5: {  	v56 =	vmov s13;
	v57 =	vor.u32 s12, v31  }
0x1c6: {  	v58 =	vshll.u32 v56, $0x3  }
0x1c7: {  	v35 =	vand.u32 $0x7E, v56;
	v37 =	vand.u32 $0xC00, v58  }
0x1c8: {  	v35 =	vor.u32 v35, v37  }
0x1c9: {  	v37 =	vor.u32 v2, v35;
	v34 =	vld.idx.msk [tilespmem:v55+s10+$0x0], $0xffff  }
0x1ca: {  	v35 =	vor.u32 v3, v35;
	v36 =	vld.idx.msk [tilespmem:v57+s10+$0x0], $0xffff;
	_ =	sdelay $0x3  }
0x1cb: {  	[tilespmem:v37+s28+$0x0] =	vst.idx.msk $0xffff, v34  }
0x1cc: {  	[tilespmem:v35+s28+$0x0] =	vst.idx.msk $0xffff, v36  }
0x1cd: {  	v34 =	vld @!p0 [tilespmem:s2+$0xE];
	_ =	sdelay $0x4  }
0x1ce: {  	(v2sf) =	vpush @!p0 v34, $0x0;
	_ =	sdelay $0xe  }
0x1cf: {  	s12 =	spop @!p0 (v2sf)  }
0x1d0: {  	s12 =	sand.u32 @!p0 $0xFFFFF80, s12  }
0x1d1: {  	s13 =	simm.s32 @!p0 $0xE280;
	s12 =	sadd.s32 @!p0 s0, s12  }
0x1d2: {  	[tilespmem:s13], [sflag:$0x1] =	stream.strided.gather @!p0 [hbm4b:s12+s3], $0x1000, s11, s3, $0x38;
	[tilespmem:$0x14280] =	vst v63  }
0x1d3: {  	_ =	swait.ge [sflag:s26], $0x1000  }
0x1d4: {  	[sflag:s26] =	ssyncset.done $0x0  }
0x1d5: {  	[sflag:s26] =	ssyncadd.s32 $0xFFFFF000  }
0x1d6: {  	v59 =	vld [tilespmem:s2+$0xFFFFFFFF];
	_ =	sdelay $0x4  }
0x1d7: {  	(v2sf) =	vpush v59, $0x0;
	_ =	sdelay $0xe  }
0x1d8: {  	s13 =	spop (v2sf)  }
0x1d9: {  	s3 =	sand.u32 $0x7F, s13  }
0x1da: {  	v60 =	vor.u32 s3, v32  }
0x1db: {  	v61 =	vmov s1;
	v62 =	vor.u32 s3, v33  }
0x1dc: {  	v63 =	vshll.u32 v61, $0x3  }
0x1dd: {  	v37 =	vand.u32 $0xC00, v63;
	v35 =	vand.u32 $0x7F, v61  }
0x1de: {  	v35 =	vor.u32 v35, v37  }
0x1df: {  	v37 =	vor.u32 v2, v35;
	v34 =	vld.idx.msk [tilespmem:v60+s10+$0x0], $0xffff  }
0x1e0: {  	v35 =	vor.u32 v3, v35;
	v36 =	vld.idx.msk [tilespmem:v62+s10+$0x0], $0xffff  }
.Ltmp2:
0x1e1: {  	_ = 	snop;
	(pc) =	sbr.rel @p0 .LBB2_4-.Ltmp2, $3  }
0x1e2: {  	_ =	sdelay $0x1  }
0x1e3: {  	[tilespmem:v37+s28+$0x0] =	vst.idx.msk $0xffff, v34  }
0x1e4: {  	[tilespmem:v35+s28+$0x0] =	vst.idx.msk $0xffff, v36  }
0x1e5: {  	v34 =	vld [tilespmem:s2+$0xF];
	_ =	sdelay $0x4  }
0x1e6: {  	(v2sf) =	vpush v34, $0x0;
	_ =	sdelay $0xd  }
.Ltmp3:
0x1e7: {  	_ = 	snop;
	(pc) =	sbr.rel .LBB2_2-.Ltmp3, $4  }
0x1e8: {  	s3 =	spop (v2sf)  }
0x1e9: {  	s3 =	sand.u32 $0xFFFFF80, s3  }
0x1ea: {  	s1 =	sadd.s32 $0x10, s1;
	s2 =	sadd.s32 $0x10, s2;
	s3 =	sadd.s32 s0, s3  }
0x1eb: {  	[tilespmem:s25], [sflag:$0x1] =	stream.strided.gather [hbm4b:s3+s8], $0x1000, s9, s8, $0x38;
	[tilespmem:$0x14280] =	vst v63  }
.LBB2_5:
0x1ec: {  	_ =	sfence.sel $0x180000  }
0x1ed: {  	[bflag:$0x0] =	sbarrier.arrive $0xFFFF  }
0x1ee: {  	_ =	strace $0x90000047  }
0x1ef: {  	s0 =	stileid.u32;
	[bflag:$0x2] =	sbarrier.arrive $0xFFFF  }
0x1f0: {  	p0 =	sne.s32 s0, $0x0;
	s0 =	rddreg [dreg:$0x3]  }
0x1f1: {  	s0 =	sadd.s32 @!p0 $0x100000, s0  }
0x1f2: {  	[sflag:s0] =	ssyncadd.tile.s32 @!p0 $0x1;
	_ =	shalt  }
.Lfunc_end2:
_tile_overlayer_lowered:
.L_overlay_start_2:
0x1f3: {  	(tag) =	ssettag $0x2  }
0x1f4: {  	s0 =	rddreg [dreg:$0x0];
	s2 =	stileid.u32  }
0x1f5: {  	s1 =	rddreg [dreg:$0x1];
	p0 =	sne.s32 s2, $0x0  }
0x1f6: {  	s3 =	rddreg [dreg:$0x2];
	[bflag:$0x3] =	sbarrier.arrive $0xFFFF;
	s2 =	simm.s32 @!p0 $0x1C02  }
0x1f7: {  	[timem:s3], [sflag:s2] =	dma.local @!p0 [hbm:s0], s1  }
0x1f8: {  	s0 =	simm.s32 @!p0 $0x2  }
0x1f9: {  	_ =	swait.ge @!p0 [sflag:s0], s1  }
0x1fa: {  	s1 =	ssub.s32 @!p0 $0x0, s1;
	[sflag:s0] =	ssyncset.done @!p0 $0x0  }
0x1fb: {  	[sflag:s0] =	ssyncadd.s32 @!p0 s1  }
0x1fc: {  	[bflag:$0x3] =	sbarrier.arrive $0xFFFF  }
0x1fd: {  	_ =	shalt  }

</sc_bundles>
